<compile_context>
chip_gen: v7x
topology: tpu7x:2x2x1
jax: 0.10.2.dev20260603
libtpu: 0.0.44.dev20260713+nightly
codegen_flags: <defaults>
</compile_context>

<pallas_src>
import functools

import jax
import jax.numpy as jnp
from jax import lax
from jax.experimental import pallas as pl
from jax.experimental.pallas import tpu as pltpu, tpu_sc as plsc

_C = 85
_CHROWS = 256
_CHW = _CHROWS * _C
_NS = (4096, 1024, 256)
_BATCH_OUT = 5376 * _C
_L1_OUT_OFF = 4096 * _C
_L2_OUT_OFF = 5120 * _C


def _decode_chunk(vin, vout, row0, wlog, stride):
    def body(iv, _):
        q = iv * 16 + lax.iota(jnp.int32, 16)
        d = ((q.astype(jnp.float32) + 0.5) * (1.0 / _C)).astype(jnp.int32)
        c = q - d * _C
        row = row0 + d
        gx = (row & ((1 << wlog) - 1)).astype(jnp.float32)
        gy = (row >> wlog).astype(jnp.float32)
        g = jnp.where(c == 0, gx, gy)
        v = vin[pl.ds(iv * 16, 16)]
        xy = (v + g) * stride
        wh = jnp.exp(v) * stride
        vout[pl.ds(iv * 16, 16)] = jnp.where(
            c < 2, xy, jnp.where(c < 4, wh, v)
        )
        return 0

    lax.fori_loop(0, _CHW // 16, body, 0, unroll=8)


def _sc_decode(f0, f1, f2, out, vin, vout):
    wid = lax.axis_index("s") * 2 + lax.axis_index("c")

    b0 = wid >> 1
    half = wid & 1

    def l0_chunk(k, _):
        in_off = b0 * (_NS[0] * _C) + half * (8 * _CHW) + k * _CHW
        out_off = b0 * _BATCH_OUT + half * (8 * _CHW) + k * _CHW
        pltpu.sync_copy(f0.at[pl.ds(in_off, _CHW)], vin)
        _decode_chunk(vin, vout, half * 2048 + k * _CHROWS, 6, 8.0)
        pltpu.sync_copy(vout, out.at[pl.ds(out_off, _CHW)])
        return 0

    lax.fori_loop(0, 8, l0_chunk, 0)

    @pl.when(wid < 16)
    def _():
        def l1_chunk(k, _):
            in_off = wid * (_NS[1] * _C) + k * _CHW
            out_off = wid * _BATCH_OUT + _L1_OUT_OFF + k * _CHW
            pltpu.sync_copy(f1.at[pl.ds(in_off, _CHW)], vin)
            _decode_chunk(vin, vout, k * _CHROWS, 5, 16.0)
            pltpu.sync_copy(vout, out.at[pl.ds(out_off, _CHW)])
            return 0

        lax.fori_loop(0, 4, l1_chunk, 0)

    @pl.when(wid >= 16)
    def _():
        b2 = wid - 16
        in_off = b2 * (_NS[2] * _C)
        out_off = b2 * _BATCH_OUT + _L2_OUT_OFF
        pltpu.sync_copy(f2.at[pl.ds(in_off, _CHW)], vin)
        _decode_chunk(vin, vout, 0, 4, 32.0)
        pltpu.sync_copy(vout, out.at[pl.ds(out_off, _CHW)])


@jax.jit
def kernel(feat0, feat1, feat2, targets):
    b = feat0.shape[0]
    f0 = feat0.reshape(b * _NS[0] * _C)
    f1 = feat1.reshape(b * _NS[1] * _C)
    f2 = feat2.reshape(b * _NS[2] * _C)
    run = functools.partial(
        pl.kernel,
        out_type=jax.ShapeDtypeStruct((b * _BATCH_OUT,), jnp.float32),
        mesh=plsc.VectorSubcoreMesh(core_axis_name="c", subcore_axis_name="s"),
        scratch_types=[
            pltpu.VMEM((_CHW,), jnp.float32),
            pltpu.VMEM((_CHW,), jnp.float32),
        ],
    )(_sc_decode)
    out = run(f0, f1, f2)
    return out.reshape(b, 5376, _C)

# --- scband reference (transcript-rebuilt; emitter-appended) ---
"""Pipeline reference for scband-yolov6-head-39814346834356 (READ-ONLY COPY).

The authoritative reference and input builder live on the scoring server;
editing this copy changes nothing except your own understanding.
"""

import jax, jax.numpy as jnp
import numpy as np

STRIDES = (8, 16, 32)


def _decode(feat, stride):
    # feat: [B, n_anchors, H, W, 5+nc] raw head output (matches decode_output in ComputeLoss)
    B, A, H, W, C = feat.shape
    yv, xv = jnp.meshgrid(jnp.arange(H), jnp.arange(W), indexing='ij')
    grid = jnp.stack((xv, yv), axis=2).reshape(1, -1, 2).astype(feat.dtype)
    out = feat.reshape(B, A * H * W, C)
    out_origin = out
    xy = (out[..., :2] + grid) * float(stride)
    wh = jnp.exp(out[..., 2:4]) * float(stride)
    dec = jnp.concatenate([xy, wh, out[..., 4:]], axis=-1)
    return dec, out_origin, grid


def setup_inputs(seed: int = 0):
    key = jax.random.key(seed)
    k0, k1, k2, k3, k4 = jax.random.split(key, 5)
    feat0 = jax.random.normal(k0, (16, 1, 64, 64, 85), dtype=jnp.float32)
    feat1 = jax.random.normal(k1, (16, 1, 32, 32, 85), dtype=jnp.float32)
    feat2 = jax.random.normal(k2, (16, 1, 16, 16, 85), dtype=jnp.float32)
    cls = jax.random.randint(k3, (16, 50, 1), 0, 80).astype(jnp.float32)
    boxes = jax.random.uniform(k4, (16, 50, 4), dtype=jnp.float32) * 512.0
    targets = jnp.concatenate([cls, boxes], axis=-1)
    return {"feat0": feat0, "feat1": feat1, "feat2": feat2, "targets": targets}


def reference(feat0, feat1, feat2, targets):
    # Faithful translation of ComputeLoss.get_outputs_and_grids / decode_output:
    # decodes per-level raw predictions into absolute xywh boxes + obj/cls logits,
    # concatenated over all anchor positions. The SimOTA assignment (get_assignments)
    # is executed under @torch.no_grad in the original and is truncated in the source;
    # the differentiable decode path is the reference output here.
    decs = []
    for feat, s in zip((feat0, feat1, feat2), STRIDES):
        dec, _, _ = _decode(feat, s)
        decs.append(dec)
    outputs = jnp.concatenate(decs, axis=1)  # [B, 5376, 85]
    return outputs

if __name__ == "__main__":
    import jax
    _d = setup_inputs()
    print(jax.jit(kernel)(*tuple(_d.values())))

</pallas_src>

<mosaic_0001>
#map = affine_map<(d0, d1) -> (0)>
module attributes {stable_mosaic.version = 14 : i64} {
  func.func @_sc_decode(%arg0: i32, %arg1: i32, %arg2: memref<5570560xf32, #tpu.memory_space<hbm>>, %arg3: memref<1392640xf32, #tpu.memory_space<hbm>>, %arg4: memref<348160xf32, #tpu.memory_space<hbm>>, %arg5: memref<7311360xf32, #tpu.memory_space<hbm>>, %arg6: memref<21760xf32, #tpu.memory_space<vmem>>, %arg7: memref<21760xf32, #tpu.memory_space<vmem>>) attributes {dimension_semantics = [#tpu.dimension_semantics<core_parallel>, #tpu.dimension_semantics<subcore_parallel>], iteration_bounds = array<i64: 2, 16>, scalar_prefetch = 0 : i64, scratch_operands = 2 : i64, tpu.core_type = #tpu.core_type<sc_vector_subcore>, window_params = [{transform_indices = #map}, {transform_indices = #map}, {transform_indices = #map}, {transform_indices = #map}]} {
    %mul3A = arith.constant 2 : i32
    %mul3A_0 = arith.muli %arg1, %mul3A : i32
    %add3A = arith.addi %mul3A_0, %arg0 : i32
    %shift_right_arithmetic3A = arith.constant 1 : i32
    %shift_right_arithmetic3A_1 = arith.shrsi %add3A, %shift_right_arithmetic3A : i32
    %and3A = arith.constant 1 : i32
    %and3A_2 = arith.andi %add3A, %and3A : i32
    %scan3A = arith.constant 0 : i32
    %scan3A_3 = arith.constant 0 : i32
    %scan3A_4 = arith.constant 8 : i32
    %scan3A_5 = arith.addi %scan3A_3, %scan3A_4 : i32
    %scan3A_6 = arith.constant 1 : i32
    %scan3A_7 = scf.for %scan3A_15 = %scan3A_3 to %scan3A_5 step %scan3A_6 iter_args(%scan3A_16 = %scan3A) -> (i32)  : i32 {
      %mul3A_17 = arith.constant 348160 : i32
      %mul3A_18 = arith.muli %shift_right_arithmetic3A_1, %mul3A_17 : i32
      %mul3A_19 = arith.constant 174080 : i32
      %mul3A_20 = arith.muli %and3A_2, %mul3A_19 : i32
      %add3A_21 = arith.addi %mul3A_18, %mul3A_20 : i32
      %mul3A_22 = arith.constant 21760 : i32
      %mul3A_23 = arith.muli %scan3A_15, %mul3A_22 : i32
      %add3A_24 = arith.addi %add3A_21, %mul3A_23 : i32
      %mul3A_25 = arith.constant 456960 : i32
      %mul3A_26 = arith.muli %shift_right_arithmetic3A_1, %mul3A_25 : i32
      %mul3A_27 = arith.constant 174080 : i32
      %mul3A_28 = arith.muli %and3A_2, %mul3A_27 : i32
      %add3A_29 = arith.addi %mul3A_26, %mul3A_28 : i32
      %mul3A_30 = arith.constant 21760 : i32
      %mul3A_31 = arith.muli %scan3A_15, %mul3A_30 : i32
      %add3A_32 = arith.addi %add3A_29, %mul3A_31 : i32
      "tpu.region"() ({
        %run_scoped3A = tpu.sem_alloc : memref<!tpu.dma_semaphore, #tpu.memory_space<semaphore_mem>>
        %dma_start3A = tpu.memref_slice %arg2[%add3A_24] : memref<5570560xf32, #tpu.memory_space<hbm>> -> memref<21760xf32, #tpu.memory_space<hbm>>
        %dma_start3A_46 = tpu.memref_slice %arg2[%add3A_24] : memref<5570560xf32, #tpu.memory_space<hbm>> -> memref<21760xf32, #tpu.memory_space<hbm>>
        tpu.enqueue_dma source(%dma_start3A_46 : memref<21760xf32, #tpu.memory_space<hbm>>) target(%arg6 : memref<21760xf32, #tpu.memory_space<vmem>>) target_semaphore(%run_scoped3A : memref<!tpu.dma_semaphore, #tpu.memory_space<semaphore_mem>>)
        %dma_wait3A = tpu.memref_slice %arg2[%add3A_24] : memref<5570560xf32, #tpu.memory_space<hbm>> -> memref<21760xf32, #tpu.memory_space<hbm>>
        %dma_wait3A_47 = tpu.memref_slice %arg2[%add3A_24] : memref<5570560xf32, #tpu.memory_space<hbm>> -> memref<21760xf32, #tpu.memory_space<hbm>>
        tpu.wait_dma2 semaphore(%run_scoped3A : memref<!tpu.dma_semaphore, #tpu.memory_space<semaphore_mem>>) src(%dma_wait3A_47 : memref<21760xf32, #tpu.memory_space<hbm>>) dst(%arg6 : memref<21760xf32, #tpu.memory_space<vmem>>)
        tpu.yield
      }) : () -> ()
      %mul3A_33 = arith.constant 2048 : i32
      %mul3A_34 = arith.muli %and3A_2, %mul3A_33 : i32
      %mul3A_35 = arith.constant 256 : i32
      %mul3A_36 = arith.muli %scan3A_15, %mul3A_35 : i32
      %add3A_37 = arith.addi %mul3A_34, %mul3A_36 : i32
      %scan3A_38 = arith.constant 0 : i32
      %scan3A_39 = arith.constant 0 : i32
      %scan3A_40 = arith.constant 1360 : i32
      %scan3A_41 = arith.addi %scan3A_39, %scan3A_40 : i32
      %scan3A_42 = arith.constant 8 : i32
      %scan3A_43 = scf.for %scan3A_46 = %scan3A_39 to %scan3A_41 step %scan3A_42 iter_args(%scan3A_47 = %scan3A_38) -> (i32)  : i32 {
        %mul3A_48 = arith.constant 16 : i32
        %mul3A_49 = arith.muli %scan3A_46, %mul3A_48 : i32
        %iota3A = tpu.iota {dimensions = array<i32: 0>} : vector<16xi32>
        %add3A_50 = vector.broadcast %mul3A_49 : i32 to vector<16xi32>
        %add3A_51 = arith.addi %add3A_50, %iota3A : vector<16xi32>
        %convert_element_type3A_52 = arith.sitofp %add3A_51 : vector<16xi32> to vector<16xf32>
        %add3A_53 = arith.constant 5.000000e-01 : f32
        %add3A_54 = vector.broadcast %add3A_53 : f32 to vector<16xf32>
        %add3A_55 = arith.addf %convert_element_type3A_52, %add3A_54 : vector<16xf32>
        %mul3A_56 = arith.constant 0.0117647061 : f32
        %mul3A_57 = vector.broadcast %mul3A_56 : f32 to vector<16xf32>
        %mul3A_58 = arith.mulf %add3A_55, %mul3A_57 : vector<16xf32>
        %convert_element_type3A_59 = arith.fptosi %mul3A_58 : vector<16xf32> to vector<16xi32>
        %mul3A_60 = arith.constant 85 : i32
        %mul3A_61 = vector.broadcast %mul3A_60 : i32 to vector<16xi32>
        %mul3A_62 = arith.muli %convert_element_type3A_59, %mul3A_61 : vector<16xi32>
        %sub3A = arith.subi %add3A_51, %mul3A_62 : vector<16xi32>
        %add3A_63 = vector.broadcast %add3A_37 : i32 to vector<16xi32>
        %add3A_64 = arith.addi %add3A_63, %convert_element_type3A_59 : vector<16xi32>
        %and3A_65 = arith.constant 63 : i32
        %and3A_66 = vector.broadcast %and3A_65 : i32 to vector<16xi32>
        %and3A_67 = arith.andi %add3A_64, %and3A_66 : vector<16xi32>
        %convert_element_type3A_68 = arith.sitofp %and3A_67 : vector<16xi32> to vector<16xf32>
        %shift_right_arithmetic3A_69 = arith.constant 6 : i32
        %shift_right_arithmetic3A_70 = vector.broadcast %shift_right_arithmetic3A_69 : i32 to vector<16xi32>
        %shift_right_arithmetic3A_71 = arith.shrsi %add3A_64, %shift_right_arithmetic3A_70 : vector<16xi32>
        %convert_element_type3A_72 = arith.sitofp %shift_right_arithmetic3A_71 : vector<16xi32> to vector<16xf32>
        %eq3A = arith.constant 0 : i32
        %eq3A_73 = vector.broadcast %eq3A : i32 to vector<16xi32>
        %eq3A_74 = arith.cmpi eq, %sub3A, %eq3A_73 : vector<16xi32>
        %select_n3A = arith.select %eq3A_74, %convert_element_type3A_68, %convert_element_type3A_72 : vector<16xi1>, vector<16xf32>
        %mul3A_75 = arith.constant 16 : i32
        %mul3A_76 = arith.muli %scan3A_46, %mul3A_75 : i32
        %get3A = arith.index_cast %mul3A_76 : i32 to index
        %get3A_77 = tpu.vector_load %arg6[%get3A] {strides = array<i32>} : memref<21760xf32, #tpu.memory_space<vmem>>, vector<16xf32>,
        %get3A_78 = vector.shape_cast %get3A_77 : vector<16xf32> to vector<16xf32>
        %add3A_79 = arith.addf %get3A_78, %select_n3A : vector<16xf32>
        %mul3A_80 = arith.constant 8.000000e+00 : f32
        %mul3A_81 = vector.broadcast %mul3A_80 : f32 to vector<16xf32>
        %mul3A_82 = arith.mulf %add3A_79, %mul3A_81 : vector<16xf32>
        %exp3A = math.exp %get3A_78 : vector<16xf32>
        %mul3A_83 = arith.constant 8.000000e+00 : f32
        %mul3A_84 = vector.broadcast %mul3A_83 : f32 to vector<16xf32>
        %mul3A_85 = arith.mulf %exp3A, %mul3A_84 : vector<16xf32>
        %lt3A_86 = arith.constant 2 : i32
        %lt3A_87 = vector.broadcast %lt3A_86 : i32 to vector<16xi32>
        %lt3A_88 = arith.cmpi slt, %sub3A, %lt3A_87 : vector<16xi32>
        %lt3A_89 = arith.constant 4 : i32
        %lt3A_90 = vector.broadcast %lt3A_89 : i32 to vector<16xi32>
        %lt3A_91 = arith.cmpi slt, %sub3A, %lt3A_90 : vector<16xi32>
        %select_n3A_92 = arith.select %lt3A_91, %mul3A_85, %get3A_78 : vector<16xi1>, vector<16xf32>
        %select_n3A_93 = arith.select %lt3A_88, %mul3A_82, %select_n3A_92 : vector<16xi1>, vector<16xf32>
        %mul3A_94 = arith.constant 16 : i32
        %mul3A_95 = arith.muli %scan3A_46, %mul3A_94 : i32
        %swap3A = arith.index_cast %mul3A_95 : i32 to index
        %swap3A_96 = tpu.vector_load %arg7[%swap3A] {strides = array<i32>} : memref<21760xf32, #tpu.memory_space<vmem>>, vector<16xf32>,
        %swap3A_97 = vector.shape_cast %swap3A_96 : vector<16xf32> to vector<16xf32>
        %swap3A_98 = vector.shape_cast %select_n3A_93 : vector<16xf32> to vector<16xf32>
        tpu.vector_store %arg7[%swap3A], %swap3A_98 {strides = array<i32>} : memref<21760xf32, #tpu.memory_space<vmem>>, vector<16xf32>,
        %scan3A_99 = arith.constant 0 : i32
        %scan3A_100 = arith.constant 1 : i32
        %scan3A_101 = arith.addi %scan3A_46, %scan3A_100 : i32
        %mul3A_102 = arith.constant 16 : i32
        %mul3A_103 = arith.muli %scan3A_101, %mul3A_102 : i32
        %iota3A_104 = tpu.iota {dimensions = array<i32: 0>} : vector<16xi32>
        %add3A_105 = vector.broadcast %mul3A_103 : i32 to vector<16xi32>
        %add3A_106 = arith.addi %add3A_105, %iota3A_104 : vector<16xi32>
        %convert_element_type3A_107 = arith.sitofp %add3A_106 : vector<16xi32> to vector<16xf32>
        %add3A_108 = arith.constant 5.000000e-01 : f32
        %add3A_109 = vector.broadcast %add3A_108 : f32 to vector<16xf32>
        %add3A_110 = arith.addf %convert_element_type3A_107, %add3A_109 : vector<16xf32>
        %mul3A_111 = arith.constant 0.0117647061 : f32
        %mul3A_112 = vector.broadcast %mul3A_111 : f32 to vector<16xf32>
        %mul3A_113 = arith.mulf %add3A_110, %mul3A_112 : vector<16xf32>
        %convert_element_type3A_114 = arith.fptosi %mul3A_113 : vector<16xf32> to vector<16xi32>
        %mul3A_115 = arith.constant 85 : i32
        %mul3A_116 = vector.broadcast %mul3A_115 : i32 to vector<16xi32>
        %mul3A_117 = arith.muli %convert_element_type3A_114, %mul3A_116 : vector<16xi32>
        %sub3A_118 = arith.subi %add3A_106, %mul3A_117 : vector<16xi32>
        %add3A_119 = vector.broadcast %add3A_37 : i32 to vector<16xi32>
        %add3A_120 = arith.addi %add3A_119, %convert_element_type3A_114 : vector<16xi32>
        %and3A_121 = arith.constant 63 : i32
        %and3A_122 = vector.broadcast %and3A_121 : i32 to vector<16xi32>
        %and3A_123 = arith.andi %add3A_120, %and3A_122 : vector<16xi32>
        %convert_element_type3A_124 = arith.sitofp %and3A_123 : vector<16xi32> to vector<16xf32>
        %shift_right_arithmetic3A_125 = arith.constant 6 : i32
        %shift_right_arithmetic3A_126 = vector.broadcast %shift_right_arithmetic3A_125 : i32 to vector<16xi32>
        %shift_right_arithmetic3A_127 = arith.shrsi %add3A_120, %shift_right_arithmetic3A_126 : vector<16xi32>
        %convert_element_type3A_128 = arith.sitofp %shift_right_arithmetic3A_127 : vector<16xi32> to vector<16xf32>
        %eq3A_129 = arith.constant 0 : i32
        %eq3A_130 = vector.broadcast %eq3A_129 : i32 to vector<16xi32>
        %eq3A_131 = arith.cmpi eq, %sub3A_118, %eq3A_130 : vector<16xi32>
        %select_n3A_132 = arith.select %eq3A_131, %convert_element_type3A_124, %convert_element_type3A_128 : vector<16xi1>, vector<16xf32>
        %mul3A_133 = arith.constant 16 : i32
        %mul3A_134 = arith.muli %scan3A_101, %mul3A_133 : i32
        %get3A_135 = arith.index_cast %mul3A_134 : i32 to index
        %get3A_136 = tpu.vector_load %arg6[%get3A_135] {strides = array<i32>} : memref<21760xf32, #tpu.memory_space<vmem>>, vector<16xf32>,
        %get3A_137 = vector.shape_cast %get3A_136 : vector<16xf32> to vector<16xf32>
        %add3A_138 = arith.addf %get3A_137, %select_n3A_132 : vector<16xf32>
        %mul3A_139 = arith.constant 8.000000e+00 : f32
        %mul3A_140 = vector.broadcast %mul3A_139 : f32 to vector<16xf32>
        %mul3A_141 = arith.mulf %add3A_138, %mul3A_140 : vector<16xf32>
        %exp3A_142 = math.exp %get3A_137 : vector<16xf32>
        %mul3A_143 = arith.constant 8.000000e+00 : f32
        %mul3A_144 = vector.broadcast %mul3A_143 : f32 to vector<16xf32>
        %mul3A_145 = arith.mulf %exp3A_142, %mul3A_144 : vector<16xf32>
        %lt3A_146 = arith.constant 2 : i32
        %lt3A_147 = vector.broadcast %lt3A_146 : i32 to vector<16xi32>
        %lt3A_148 = arith.cmpi slt, %sub3A_118, %lt3A_147 : vector<16xi32>
        %lt3A_149 = arith.constant 4 : i32
        %lt3A_150 = vector.broadcast %lt3A_149 : i32 to vector<16xi32>
        %lt3A_151 = arith.cmpi slt, %sub3A_118, %lt3A_150 : vector<16xi32>
        %select_n3A_152 = arith.select %lt3A_151, %mul3A_145, %get3A_137 : vector<16xi1>, vector<16xf32>
        %select_n3A_153 = arith.select %lt3A_148, %mul3A_141, %select_n3A_152 : vector<16xi1>, vector<16xf32>
        %mul3A_154 = arith.constant 16 : i32
        %mul3A_155 = arith.muli %scan3A_101, %mul3A_154 : i32
        %swap3A_156 = arith.index_cast %mul3A_155 : i32 to index
        %swap3A_157 = tpu.vector_load %arg7[%swap3A_156] {strides = array<i32>} : memref<21760xf32, #tpu.memory_space<vmem>>, vector<16xf32>,
        %swap3A_158 = vector.shape_cast %swap3A_157 : vector<16xf32> to vector<16xf32>
        %swap3A_159 = vector.shape_cast %select_n3A_153 : vector<16xf32> to vector<16xf32>
        tpu.vector_store %arg7[%swap3A_156], %swap3A_159 {strides = array<i32>} : memref<21760xf32, #tpu.memory_space<vmem>>, vector<16xf32>,
        %scan3A_160 = arith.constant 0 : i32
        %scan3A_161 = arith.constant 2 : i32
        %scan3A_162 = arith.addi %scan3A_46, %scan3A_161 : i32
        %mul3A_163 = arith.constant 16 : i32
        %mul3A_164 = arith.muli %scan3A_162, %mul3A_163 : i32
        %iota3A_165 = tpu.iota {dimensions = array<i32: 0>} : vector<16xi32>
        %add3A_166 = vector.broadcast %mul3A_164 : i32 to vector<16xi32>
        %add3A_167 = arith.addi %add3A_166, %iota3A_165 : vector<16xi32>
        %convert_element_type3A_168 = arith.sitofp %add3A_167 : vector<16xi32> to vector<16xf32>
        %add3A_169 = arith.constant 5.000000e-01 : f32
        %add3A_170 = vector.broadcast %add3A_169 : f32 to vector<16xf32>
        %add3A_171 = arith.addf %convert_element_type3A_168, %add3A_170 : vector<16xf32>
        %mul3A_172 = arith.constant 0.0117647061 : f32
        %mul3A_173 = vector.broadcast %mul3A_172 : f32 to vector<16xf32>
        %mul3A_174 = arith.mulf %add3A_171, %mul3A_173 : vector<16xf32>
        %convert_element_type3A_175 = arith.fptosi %mul3A_174 : vector<16xf32> to vector<16xi32>
        %mul3A_176 = arith.constant 85 : i32
        %mul3A_177 = vector.broadcast %mul3A_176 : i32 to vector<16xi32>
        %mul3A_178 = arith.muli %convert_element_type3A_175, %mul3A_177 : vector<16xi32>
        %sub3A_179 = arith.subi %add3A_167, %mul3A_178 : vector<16xi32>
        %add3A_180 = vector.broadcast %add3A_37 : i32 to vector<16xi32>
        %add3A_181 = arith.addi %add3A_180, %convert_element_type3A_175 : vector<16xi32>
        %and3A_182 = arith.constant 63 : i32
        %and3A_183 = vector.broadcast %and3A_182 : i32 to vector<16xi32>
        %and3A_184 = arith.andi %add3A_181, %and3A_183 : vector<16xi32>
        %convert_element_type3A_185 = arith.sitofp %and3A_184 : vector<16xi32> to vector<16xf32>
        %shift_right_arithmetic3A_186 = arith.constant 6 : i32
        %shift_right_arithmetic3A_187 = vector.broadcast %shift_right_arithmetic3A_186 : i32 to vector<16xi32>
        %shift_right_arithmetic3A_188 = arith.shrsi %add3A_181, %shift_right_arithmetic3A_187 : vector<16xi32>
        %convert_element_type3A_189 = arith.sitofp %shift_right_arithmetic3A_188 : vector<16xi32> to vector<16xf32>
        %eq3A_190 = arith.constant 0 : i32
        %eq3A_191 = vector.broadcast %eq3A_190 : i32 to vector<16xi32>
        %eq3A_192 = arith.cmpi eq, %sub3A_179, %eq3A_191 : vector<16xi32>
        %select_n3A_193 = arith.select %eq3A_192, %convert_element_type3A_185, %convert_element_type3A_189 : vector<16xi1>, vector<16xf32>
        %mul3A_194 = arith.constant 16 : i32
        %mul3A_195 = arith.muli %scan3A_162, %mul3A_194 : i32
        %get3A_196 = arith.index_cast %mul3A_195 : i32 to index
        %get3A_197 = tpu.vector_load %arg6[%get3A_196] {strides = array<i32>} : memref<21760xf32, #tpu.memory_space<vmem>>, vector<16xf32>,
        %get3A_198 = vector.shape_cast %get3A_197 : vector<16xf32> to vector<16xf32>
        %add3A_199 = arith.addf %get3A_198, %select_n3A_193 : vector<16xf32>
        %mul3A_200 = arith.constant 8.000000e+00 : f32
        %mul3A_201 = vector.broadcast %mul3A_200 : f32 to vector<16xf32>
        %mul3A_202 = arith.mulf %add3A_199, %mul3A_201 : vector<16xf32>
        %exp3A_203 = math.exp %get3A_198 : vector<16xf32>
        %mul3A_204 = arith.constant 8.000000e+00 : f32
        %mul3A_205 = vector.broadcast %mul3A_204 : f32 to vector<16xf32>
        %mul3A_206 = arith.mulf %exp3A_203, %mul3A_205 : vector<16xf32>
        %lt3A_207 = arith.constant 2 : i32
        %lt3A_208 = vector.broadcast %lt3A_207 : i32 to vector<16xi32>
        %lt3A_209 = arith.cmpi slt, %sub3A_179, %lt3A_208 : vector<16xi32>
        %lt3A_210 = arith.constant 4 : i32
        %lt3A_211 = vector.broadcast %lt3A_210 : i32 to vector<16xi32>
        %lt3A_212 = arith.cmpi slt, %sub3A_179, %lt3A_211 : vector<16xi32>
        %select_n3A_213 = arith.select %lt3A_212, %mul3A_206, %get3A_198 : vector<16xi1>, vector<16xf32>
        %select_n3A_214 = arith.select %lt3A_209, %mul3A_202, %select_n3A_213 : vector<16xi1>, vector<16xf32>
        %mul3A_215 = arith.constant 16 : i32
        %mul3A_216 = arith.muli %scan3A_162, %mul3A_215 : i32
        %swap3A_217 = arith.index_cast %mul3A_216 : i32 to index
        %swap3A_218 = tpu.vector_load %arg7[%swap3A_217] {strides = array<i32>} : memref<21760xf32, #tpu.memory_space<vmem>>, vector<16xf32>,
        %swap3A_219 = vector.shape_cast %swap3A_218 : vector<16xf32> to vector<16xf32>
        %swap3A_220 = vector.shape_cast %select_n3A_214 : vector<16xf32> to vector<16xf32>
        tpu.vector_store %arg7[%swap3A_217], %swap3A_220 {strides = array<i32>} : memref<21760xf32, #tpu.memory_space<vmem>>, vector<16xf32>,
        %scan3A_221 = arith.constant 0 : i32
        %scan3A_222 = arith.constant 3 : i32
        %scan3A_223 = arith.addi %scan3A_46, %scan3A_222 : i32
        %mul3A_224 = arith.constant 16 : i32
        %mul3A_225 = arith.muli %scan3A_223, %mul3A_224 : i32
        %iota3A_226 = tpu.iota {dimensions = array<i32: 0>} : vector<16xi32>
        %add3A_227 = vector.broadcast %mul3A_225 : i32 to vector<16xi32>
        %add3A_228 = arith.addi %add3A_227, %iota3A_226 : vector<16xi32>
        %convert_element_type3A_229 = arith.sitofp %add3A_228 : vector<16xi32> to vector<16xf32>
        %add3A_230 = arith.constant 5.000000e-01 : f32
        %add3A_231 = vector.broadcast %add3A_230 : f32 to vector<16xf32>
        %add3A_232 = arith.addf %convert_element_type3A_229, %add3A_231 : vector<16xf32>
        %mul3A_233 = arith.constant 0.0117647061 : f32
        %mul3A_234 = vector.broadcast %mul3A_233 : f32 to vector<16xf32>
        %mul3A_235 = arith.mulf %add3A_232, %mul3A_234 : vector<16xf32>
        %convert_element_type3A_236 = arith.fptosi %mul3A_235 : vector<16xf32> to vector<16xi32>
        %mul3A_237 = arith.constant 85 : i32
        %mul3A_238 = vector.broadcast %mul3A_237 : i32 to vector<16xi32>
        %mul3A_239 = arith.muli %convert_element_type3A_236, %mul3A_238 : vector<16xi32>
        %sub3A_240 = arith.subi %add3A_228, %mul3A_239 : vector<16xi32>
        %add3A_241 = vector.broadcast %add3A_37 : i32 to vector<16xi32>
        %add3A_242 = arith.addi %add3A_241, %convert_element_type3A_236 : vector<16xi32>
        %and3A_243 = arith.constant 63 : i32
        %and3A_244 = vector.broadcast %and3A_243 : i32 to vector<16xi32>
        %and3A_245 = arith.andi %add3A_242, %and3A_244 : vector<16xi32>
        %convert_element_type3A_246 = arith.sitofp %and3A_245 : vector<16xi32> to vector<16xf32>
        %shift_right_arithmetic3A_247 = arith.constant 6 : i32
        %shift_right_arithmetic3A_248 = vector.broadcast %shift_right_arithmetic3A_247 : i32 to vector<16xi32>
        %shift_right_arithmetic3A_249 = arith.shrsi %add3A_242, %shift_right_arithmetic3A_248 : vector<16xi32>
        %convert_element_type3A_250 = arith.sitofp %shift_right_arithmetic3A_249 : vector<16xi32> to vector<16xf32>
        %eq3A_251 = arith.constant 0 : i32
        %eq3A_252 = vector.broadcast %eq3A_251 : i32 to vector<16xi32>
        %eq3A_253 = arith.cmpi eq, %sub3A_240, %eq3A_252 : vector<16xi32>
        %select_n3A_254 = arith.select %eq3A_253, %convert_element_type3A_246, %convert_element_type3A_250 : vector<16xi1>, vector<16xf32>
        %mul3A_255 = arith.constant 16 : i32
        %mul3A_256 = arith.muli %scan3A_223, %mul3A_255 : i32
        %get3A_257 = arith.index_cast %mul3A_256 : i32 to index
        %get3A_258 = tpu.vector_load %arg6[%get3A_257] {strides = array<i32>} : memref<21760xf32, #tpu.memory_space<vmem>>, vector<16xf32>,
        %get3A_259 = vector.shape_cast %get3A_258 : vector<16xf32> to vector<16xf32>
        %add3A_260 = arith.addf %get3A_259, %select_n3A_254 : vector<16xf32>
        %mul3A_261 = arith.constant 8.000000e+00 : f32
        %mul3A_262 = vector.broadcast %mul3A_261 : f32 to vector<16xf32>
        %mul3A_263 = arith.mulf %add3A_260, %mul3A_262 : vector<16xf32>
        %exp3A_264 = math.exp %get3A_259 : vector<16xf32>
        %mul3A_265 = arith.constant 8.000000e+00 : f32
        %mul3A_266 = vector.broadcast %mul3A_265 : f32 to vector<16xf32>
        %mul3A_267 = arith.mulf %exp3A_264, %mul3A_266 : vector<16xf32>
        %lt3A_268 = arith.constant 2 : i32
        %lt3A_269 = vector.broadcast %lt3A_268 : i32 to vector<16xi32>
        %lt3A_270 = arith.cmpi slt, %sub3A_240, %lt3A_269 : vector<16xi32>
        %lt3A_271 = arith.constant 4 : i32
        %lt3A_272 = vector.broadcast %lt3A_271 : i32 to vector<16xi32>
        %lt3A_273 = arith.cmpi slt, %sub3A_240, %lt3A_272 : vector<16xi32>
        %select_n3A_274 = arith.select %lt3A_273, %mul3A_267, %get3A_259 : vector<16xi1>, vector<16xf32>
        %select_n3A_275 = arith.select %lt3A_270, %mul3A_263, %select_n3A_274 : vector<16xi1>, vector<16xf32>
        %mul3A_276 = arith.constant 16 : i32
        %mul3A_277 = arith.muli %scan3A_223, %mul3A_276 : i32
        %swap3A_278 = arith.index_cast %mul3A_277 : i32 to index
        %swap3A_279 = tpu.vector_load %arg7[%swap3A_278] {strides = array<i32>} : memref<21760xf32, #tpu.memory_space<vmem>>, vector<16xf32>,
        %swap3A_280 = vector.shape_cast %swap3A_279 : vector<16xf32> to vector<16xf32>
        %swap3A_281 = vector.shape_cast %select_n3A_275 : vector<16xf32> to vector<16xf32>
        tpu.vector_store %arg7[%swap3A_278], %swap3A_281 {strides = array<i32>} : memref<21760xf32, #tpu.memory_space<vmem>>, vector<16xf32>,
        %scan3A_282 = arith.constant 0 : i32
        %scan3A_283 = arith.constant 4 : i32
        %scan3A_284 = arith.addi %scan3A_46, %scan3A_283 : i32
        %mul3A_285 = arith.constant 16 : i32
        %mul3A_286 = arith.muli %scan3A_284, %mul3A_285 : i32
        %iota3A_287 = tpu.iota {dimensions = array<i32: 0>} : vector<16xi32>
        %add3A_288 = vector.broadcast %mul3A_286 : i32 to vector<16xi32>
        %add3A_289 = arith.addi %add3A_288, %iota3A_287 : vector<16xi32>
        %convert_element_type3A_290 = arith.sitofp %add3A_289 : vector<16xi32> to vector<16xf32>
        %add3A_291 = arith.constant 5.000000e-01 : f32
        %add3A_292 = vector.broadcast %add3A_291 : f32 to vector<16xf32>
        %add3A_293 = arith.addf %convert_element_type3A_290, %add3A_292 : vector<16xf32>
        %mul3A_294 = arith.constant 0.0117647061 : f32
        %mul3A_295 = vector.broadcast %mul3A_294 : f32 to vector<16xf32>
        %mul3A_296 = arith.mulf %add3A_293, %mul3A_295 : vector<16xf32>
        %convert_element_type3A_297 = arith.fptosi %mul3A_296 : vector<16xf32> to vector<16xi32>
        %mul3A_298 = arith.constant 85 : i32
        %mul3A_299 = vector.broadcast %mul3A_298 : i32 to vector<16xi32>
        %mul3A_300 = arith.muli %convert_element_type3A_297, %mul3A_299 : vector<16xi32>
        %sub3A_301 = arith.subi %add3A_289, %mul3A_300 : vector<16xi32>
        %add3A_302 = vector.broadcast %add3A_37 : i32 to vector<16xi32>
        %add3A_303 = arith.addi %add3A_302, %convert_element_type3A_297 : vector<16xi32>
        %and3A_304 = arith.constant 63 : i32
        %and3A_305 = vector.broadcast %and3A_304 : i32 to vector<16xi32>
        %and3A_306 = arith.andi %add3A_303, %and3A_305 : vector<16xi32>
        %convert_element_type3A_307 = arith.sitofp %and3A_306 : vector<16xi32> to vector<16xf32>
        %shift_right_arithmetic3A_308 = arith.constant 6 : i32
        %shift_right_arithmetic3A_309 = vector.broadcast %shift_right_arithmetic3A_308 : i32 to vector<16xi32>
        %shift_right_arithmetic3A_310 = arith.shrsi %add3A_303, %shift_right_arithmetic3A_309 : vector<16xi32>
        %convert_element_type3A_311 = arith.sitofp %shift_right_arithmetic3A_310 : vector<16xi32> to vector<16xf32>
        %eq3A_312 = arith.constant 0 : i32
        %eq3A_313 = vector.broadcast %eq3A_312 : i32 to vector<16xi32>
        %eq3A_314 = arith.cmpi eq, %sub3A_301, %eq3A_313 : vector<16xi32>
        %select_n3A_315 = arith.select %eq3A_314, %convert_element_type3A_307, %convert_element_type3A_311 : vector<16xi1>, vector<16xf32>
        %mul3A_316 = arith.constant 16 : i32
        %mul3A_317 = arith.muli %scan3A_284, %mul3A_316 : i32
        %get3A_318 = arith.index_cast %mul3A_317 : i32 to index
        %get3A_319 = tpu.vector_load %arg6[%get3A_318] {strides = array<i32>} : memref<21760xf32, #tpu.memory_space<vmem>>, vector<16xf32>,
        %get3A_320 = vector.shape_cast %get3A_319 : vector<16xf32> to vector<16xf32>
        %add3A_321 = arith.addf %get3A_320, %select_n3A_315 : vector<16xf32>
        %mul3A_322 = arith.constant 8.000000e+00 : f32
        %mul3A_323 = vector.broadcast %mul3A_322 : f32 to vector<16xf32>
        %mul3A_324 = arith.mulf %add3A_321, %mul3A_323 : vector<16xf32>
        %exp3A_325 = math.exp %get3A_320 : vector<16xf32>
        %mul3A_326 = arith.constant 8.000000e+00 : f32
        %mul3A_327 = vector.broadcast %mul3A_326 : f32 to vector<16xf32>
        %mul3A_328 = arith.mulf %exp3A_325, %mul3A_327 : vector<16xf32>
        %lt3A_329 = arith.constant 2 : i32
        %lt3A_330 = vector.broadcast %lt3A_329 : i32 to vector<16xi32>
        %lt3A_331 = arith.cmpi slt, %sub3A_301, %lt3A_330 : vector<16xi32>
        %lt3A_332 = arith.constant 4 : i32
        %lt3A_333 = vector.broadcast %lt3A_332 : i32 to vector<16xi32>
        %lt3A_334 = arith.cmpi slt, %sub3A_301, %lt3A_333 : vector<16xi32>
        %select_n3A_335 = arith.select %lt3A_334, %mul3A_328, %get3A_320 : vector<16xi1>, vector<16xf32>
        %select_n3A_336 = arith.select %lt3A_331, %mul3A_324, %select_n3A_335 : vector<16xi1>, vector<16xf32>
        %mul3A_337 = arith.constant 16 : i32
        %mul3A_338 = arith.muli %scan3A_284, %mul3A_337 : i32
        %swap3A_339 = arith.index_cast %mul3A_338 : i32 to index
        %swap3A_340 = tpu.vector_load %arg7[%swap3A_339] {strides = array<i32>} : memref<21760xf32, #tpu.memory_space<vmem>>, vector<16xf32>,
        %swap3A_341 = vector.shape_cast %swap3A_340 : vector<16xf32> to vector<16xf32>
        %swap3A_342 = vector.shape_cast %select_n3A_336 : vector<16xf32> to vector<16xf32>
        tpu.vector_store %arg7[%swap3A_339], %swap3A_342 {strides = array<i32>} : memref<21760xf32, #tpu.memory_space<vmem>>, vector<16xf32>,
        %scan3A_343 = arith.constant 0 : i32
        %scan3A_344 = arith.constant 5 : i32
        %scan3A_345 = arith.addi %scan3A_46, %scan3A_344 : i32
        %mul3A_346 = arith.constant 16 : i32
        %mul3A_347 = arith.muli %scan3A_345, %mul3A_346 : i32
        %iota3A_348 = tpu.iota {dimensions = array<i32: 0>} : vector<16xi32>
        %add3A_349 = vector.broadcast %mul3A_347 : i32 to vector<16xi32>
        %add3A_350 = arith.addi %add3A_349, %iota3A_348 : vector<16xi32>
        %convert_element_type3A_351 = arith.sitofp %add3A_350 : vector<16xi32> to vector<16xf32>
        %add3A_352 = arith.constant 5.000000e-01 : f32
        %add3A_353 = vector.broadcast %add3A_352 : f32 to vector<16xf32>
        %add3A_354 = arith.addf %convert_element_type3A_351, %add3A_353 : vector<16xf32>
        %mul3A_355 = arith.constant 0.0117647061 : f32
        %mul3A_356 = vector.broadcast %mul3A_355 : f32 to vector<16xf32>
        %mul3A_357 = arith.mulf %add3A_354, %mul3A_356 : vector<16xf32>
        %convert_element_type3A_358 = arith.fptosi %mul3A_357 : vector<16xf32> to vector<16xi32>
        %mul3A_359 = arith.constant 85 : i32
        %mul3A_360 = vector.broadcast %mul3A_359 : i32 to vector<16xi32>
        %mul3A_361 = arith.muli %convert_element_type3A_358, %mul3A_360 : vector<16xi32>
        %sub3A_362 = arith.subi %add3A_350, %mul3A_361 : vector<16xi32>
        %add3A_363 = vector.broadcast %add3A_37 : i32 to vector<16xi32>
        %add3A_364 = arith.addi %add3A_363, %convert_element_type3A_358 : vector<16xi32>
        %and3A_365 = arith.constant 63 : i32
        %and3A_366 = vector.broadcast %and3A_365 : i32 to vector<16xi32>
        %and3A_367 = arith.andi %add3A_364, %and3A_366 : vector<16xi32>
        %convert_element_type3A_368 = arith.sitofp %and3A_367 : vector<16xi32> to vector<16xf32>
        %shift_right_arithmetic3A_369 = arith.constant 6 : i32
        %shift_right_arithmetic3A_370 = vector.broadcast %shift_right_arithmetic3A_369 : i32 to vector<16xi32>
        %shift_right_arithmetic3A_371 = arith.shrsi %add3A_364, %shift_right_arithmetic3A_370 : vector<16xi32>
        %convert_element_type3A_372 = arith.sitofp %shift_right_arithmetic3A_371 : vector<16xi32> to vector<16xf32>
        %eq3A_373 = arith.constant 0 : i32
        %eq3A_374 = vector.broadcast %eq3A_373 : i32 to vector<16xi32>
        %eq3A_375 = arith.cmpi eq, %sub3A_362, %eq3A_374 : vector<16xi32>
        %select_n3A_376 = arith.select %eq3A_375, %convert_element_type3A_368, %convert_element_type3A_372 : vector<16xi1>, vector<16xf32>
        %mul3A_377 = arith.constant 16 : i32
        %mul3A_378 = arith.muli %scan3A_345, %mul3A_377 : i32
        %get3A_379 = arith.index_cast %mul3A_378 : i32 to index
        %get3A_380 = tpu.vector_load %arg6[%get3A_379] {strides = array<i32>} : memref<21760xf32, #tpu.memory_space<vmem>>, vector<16xf32>,
        %get3A_381 = vector.shape_cast %get3A_380 : vector<16xf32> to vector<16xf32>
        %add3A_382 = arith.addf %get3A_381, %select_n3A_376 : vector<16xf32>
        %mul3A_383 = arith.constant 8.000000e+00 : f32
        %mul3A_384 = vector.broadcast %mul3A_383 : f32 to vector<16xf32>
        %mul3A_385 = arith.mulf %add3A_382, %mul3A_384 : vector<16xf32>
        %exp3A_386 = math.exp %get3A_381 : vector<16xf32>
        %mul3A_387 = arith.constant 8.000000e+00 : f32
        %mul3A_388 = vector.broadcast %mul3A_387 : f32 to vector<16xf32>
        %mul3A_389 = arith.mulf %exp3A_386, %mul3A_388 : vector<16xf32>
        %lt3A_390 = arith.constant 2 : i32
        %lt3A_391 = vector.broadcast %lt3A_390 : i32 to vector<16xi32>
        %lt3A_392 = arith.cmpi slt, %sub3A_362, %lt3A_391 : vector<16xi32>
        %lt3A_393 = arith.constant 4 : i32
        %lt3A_394 = vector.broadcast %lt3A_393 : i32 to vector<16xi32>
        %lt3A_395 = arith.cmpi slt, %sub3A_362, %lt3A_394 : vector<16xi32>
        %select_n3A_396 = arith.select %lt3A_395, %mul3A_389, %get3A_381 : vector<16xi1>, vector<16xf32>
        %select_n3A_397 = arith.select %lt3A_392, %mul3A_385, %select_n3A_396 : vector<16xi1>, vector<16xf32>
        %mul3A_398 = arith.constant 16 : i32
        %mul3A_399 = arith.muli %scan3A_345, %mul3A_398 : i32
        %swap3A_400 = arith.index_cast %mul3A_399 : i32 to index
        %swap3A_401 = tpu.vector_load %arg7[%swap3A_400] {strides = array<i32>} : memref<21760xf32, #tpu.memory_space<vmem>>, vector<16xf32>,
        %swap3A_402 = vector.shape_cast %swap3A_401 : vector<16xf32> to vector<16xf32>
        %swap3A_403 = vector.shape_cast %select_n3A_397 : vector<16xf32> to vector<16xf32>
        tpu.vector_store %arg7[%swap3A_400], %swap3A_403 {strides = array<i32>} : memref<21760xf32, #tpu.memory_space<vmem>>, vector<16xf32>,
        %scan3A_404 = arith.constant 0 : i32
        %scan3A_405 = arith.constant 6 : i32
        %scan3A_406 = arith.addi %scan3A_46, %scan3A_405 : i32
        %mul3A_407 = arith.constant 16 : i32
        %mul3A_408 = arith.muli %scan3A_406, %mul3A_407 : i32
        %iota3A_409 = tpu.iota {dimensions = array<i32: 0>} : vector<16xi32>
        %add3A_410 = vector.broadcast %mul3A_408 : i32 to vector<16xi32>
        %add3A_411 = arith.addi %add3A_410, %iota3A_409 : vector<16xi32>
        %convert_element_type3A_412 = arith.sitofp %add3A_411 : vector<16xi32> to vector<16xf32>
        %add3A_413 = arith.constant 5.000000e-01 : f32
        %add3A_414 = vector.broadcast %add3A_413 : f32 to vector<16xf32>
        %add3A_415 = arith.addf %convert_element_type3A_412, %add3A_414 : vector<16xf32>
        %mul3A_416 = arith.constant 0.0117647061 : f32
        %mul3A_417 = vector.broadcast %mul3A_416 : f32 to vector<16xf32>
        %mul3A_418 = arith.mulf %add3A_415, %mul3A_417 : vector<16xf32>
        %convert_element_type3A_419 = arith.fptosi %mul3A_418 : vector<16xf32> to vector<16xi32>
        %mul3A_420 = arith.constant 85 : i32
        %mul3A_421 = vector.broadcast %mul3A_420 : i32 to vector<16xi32>
        %mul3A_422 = arith.muli %convert_element_type3A_419, %mul3A_421 : vector<16xi32>
        %sub3A_423 = arith.subi %add3A_411, %mul3A_422 : vector<16xi32>
        %add3A_424 = vector.broadcast %add3A_37 : i32 to vector<16xi32>
        %add3A_425 = arith.addi %add3A_424, %convert_element_type3A_419 : vector<16xi32>
        %and3A_426 = arith.constant 63 : i32
        %and3A_427 = vector.broadcast %and3A_426 : i32 to vector<16xi32>
        %and3A_428 = arith.andi %add3A_425, %and3A_427 : vector<16xi32>
        %convert_element_type3A_429 = arith.sitofp %and3A_428 : vector<16xi32> to vector<16xf32>
        %shift_right_arithmetic3A_430 = arith.constant 6 : i32
        %shift_right_arithmetic3A_431 = vector.broadcast %shift_right_arithmetic3A_430 : i32 to vector<16xi32>
        %shift_right_arithmetic3A_432 = arith.shrsi %add3A_425, %shift_right_arithmetic3A_431 : vector<16xi32>
        %convert_element_type3A_433 = arith.sitofp %shift_right_arithmetic3A_432 : vector<16xi32> to vector<16xf32>
        %eq3A_434 = arith.constant 0 : i32
        %eq3A_435 = vector.broadcast %eq3A_434 : i32 to vector<16xi32>
        %eq3A_436 = arith.cmpi eq, %sub3A_423, %eq3A_435 : vector<16xi32>
        %select_n3A_437 = arith.select %eq3A_436, %convert_element_type3A_429, %convert_element_type3A_433 : vector<16xi1>, vector<16xf32>
        %mul3A_438 = arith.constant 16 : i32
        %mul3A_439 = arith.muli %scan3A_406, %mul3A_438 : i32
        %get3A_440 = arith.index_cast %mul3A_439 : i32 to index
        %get3A_441 = tpu.vector_load %arg6[%get3A_440] {strides = array<i32>} : memref<21760xf32, #tpu.memory_space<vmem>>, vector<16xf32>,
        %get3A_442 = vector.shape_cast %get3A_441 : vector<16xf32> to vector<16xf32>
        %add3A_443 = arith.addf %get3A_442, %select_n3A_437 : vector<16xf32>
        %mul3A_444 = arith.constant 8.000000e+00 : f32
        %mul3A_445 = vector.broadcast %mul3A_444 : f32 to vector<16xf32>
        %mul3A_446 = arith.mulf %add3A_443, %mul3A_445 : vector<16xf32>
        %exp3A_447 = math.exp %get3A_442 : vector<16xf32>
        %mul3A_448 = arith.constant 8.000000e+00 : f32
        %mul3A_449 = vector.broadcast %mul3A_448 : f32 to vector<16xf32>
        %mul3A_450 = arith.mulf %exp3A_447, %mul3A_449 : vector<16xf32>
        %lt3A_451 = arith.constant 2 : i32
        %lt3A_452 = vector.broadcast %lt3A_451 : i32 to vector<16xi32>
        %lt3A_453 = arith.cmpi slt, %sub3A_423, %lt3A_452 : vector<16xi32>
        %lt3A_454 = arith.constant 4 : i32
        %lt3A_455 = vector.broadcast %lt3A_454 : i32 to vector<16xi32>
        %lt3A_456 = arith.cmpi slt, %sub3A_423, %lt3A_455 : vector<16xi32>
        %select_n3A_457 = arith.select %lt3A_456, %mul3A_450, %get3A_442 : vector<16xi1>, vector<16xf32>
        %select_n3A_458 = arith.select %lt3A_453, %mul3A_446, %select_n3A_457 : vector<16xi1>, vector<16xf32>
        %mul3A_459 = arith.constant 16 : i32
        %mul3A_460 = arith.muli %scan3A_406, %mul3A_459 : i32
        %swap3A_461 = arith.index_cast %mul3A_460 : i32 to index
        %swap3A_462 = tpu.vector_load %arg7[%swap3A_461] {strides = array<i32>} : memref<21760xf32, #tpu.memory_space<vmem>>, vector<16xf32>,
        %swap3A_463 = vector.shape_cast %swap3A_462 : vector<16xf32> to vector<16xf32>
        %swap3A_464 = vector.shape_cast %select_n3A_458 : vector<16xf32> to vector<16xf32>
        tpu.vector_store %arg7[%swap3A_461], %swap3A_464 {strides = array<i32>} : memref<21760xf32, #tpu.memory_space<vmem>>, vector<16xf32>,
        %scan3A_465 = arith.constant 0 : i32
        %scan3A_466 = arith.constant 7 : i32
        %scan3A_467 = arith.addi %scan3A_46, %scan3A_466 : i32
        %mul3A_468 = arith.constant 16 : i32
        %mul3A_469 = arith.muli %scan3A_467, %mul3A_468 : i32
        %iota3A_470 = tpu.iota {dimensions = array<i32: 0>} : vector<16xi32>
        %add3A_471 = vector.broadcast %mul3A_469 : i32 to vector<16xi32>
        %add3A_472 = arith.addi %add3A_471, %iota3A_470 : vector<16xi32>
        %convert_element_type3A_473 = arith.sitofp %add3A_472 : vector<16xi32> to vector<16xf32>
        %add3A_474 = arith.constant 5.000000e-01 : f32
        %add3A_475 = vector.broadcast %add3A_474 : f32 to vector<16xf32>
        %add3A_476 = arith.addf %convert_element_type3A_473, %add3A_475 : vector<16xf32>
        %mul3A_477 = arith.constant 0.0117647061 : f32
        %mul3A_478 = vector.broadcast %mul3A_477 : f32 to vector<16xf32>
        %mul3A_479 = arith.mulf %add3A_476, %mul3A_478 : vector<16xf32>
        %convert_element_type3A_480 = arith.fptosi %mul3A_479 : vector<16xf32> to vector<16xi32>
        %mul3A_481 = arith.constant 85 : i32
        %mul3A_482 = vector.broadcast %mul3A_481 : i32 to vector<16xi32>
        %mul3A_483 = arith.muli %convert_element_type3A_480, %mul3A_482 : vector<16xi32>
        %sub3A_484 = arith.subi %add3A_472, %mul3A_483 : vector<16xi32>
        %add3A_485 = vector.broadcast %add3A_37 : i32 to vector<16xi32>
        %add3A_486 = arith.addi %add3A_485, %convert_element_type3A_480 : vector<16xi32>
        %and3A_487 = arith.constant 63 : i32
        %and3A_488 = vector.broadcast %and3A_487 : i32 to vector<16xi32>
        %and3A_489 = arith.andi %add3A_486, %and3A_488 : vector<16xi32>
        %convert_element_type3A_490 = arith.sitofp %and3A_489 : vector<16xi32> to vector<16xf32>
        %shift_right_arithmetic3A_491 = arith.constant 6 : i32
        %shift_right_arithmetic3A_492 = vector.broadcast %shift_right_arithmetic3A_491 : i32 to vector<16xi32>
        %shift_right_arithmetic3A_493 = arith.shrsi %add3A_486, %shift_right_arithmetic3A_492 : vector<16xi32>
        %convert_element_type3A_494 = arith.sitofp %shift_right_arithmetic3A_493 : vector<16xi32> to vector<16xf32>
        %eq3A_495 = arith.constant 0 : i32
        %eq3A_496 = vector.broadcast %eq3A_495 : i32 to vector<16xi32>
        %eq3A_497 = arith.cmpi eq, %sub3A_484, %eq3A_496 : vector<16xi32>
        %select_n3A_498 = arith.select %eq3A_497, %convert_element_type3A_490, %convert_element_type3A_494 : vector<16xi1>, vector<16xf32>
        %mul3A_499 = arith.constant 16 : i32
        %mul3A_500 = arith.muli %scan3A_467, %mul3A_499 : i32
        %get3A_501 = arith.index_cast %mul3A_500 : i32 to index
        %get3A_502 = tpu.vector_load %arg6[%get3A_501] {strides = array<i32>} : memref<21760xf32, #tpu.memory_space<vmem>>, vector<16xf32>,
        %get3A_503 = vector.shape_cast %get3A_502 : vector<16xf32> to vector<16xf32>
        %add3A_504 = arith.addf %get3A_503, %select_n3A_498 : vector<16xf32>
        %mul3A_505 = arith.constant 8.000000e+00 : f32
        %mul3A_506 = vector.broadcast %mul3A_505 : f32 to vector<16xf32>
        %mul3A_507 = arith.mulf %add3A_504, %mul3A_506 : vector<16xf32>
        %exp3A_508 = math.exp %get3A_503 : vector<16xf32>
        %mul3A_509 = arith.constant 8.000000e+00 : f32
        %mul3A_510 = vector.broadcast %mul3A_509 : f32 to vector<16xf32>
        %mul3A_511 = arith.mulf %exp3A_508, %mul3A_510 : vector<16xf32>
        %lt3A_512 = arith.constant 2 : i32
        %lt3A_513 = vector.broadcast %lt3A_512 : i32 to vector<16xi32>
        %lt3A_514 = arith.cmpi slt, %sub3A_484, %lt3A_513 : vector<16xi32>
        %lt3A_515 = arith.constant 4 : i32
        %lt3A_516 = vector.broadcast %lt3A_515 : i32 to vector<16xi32>
        %lt3A_517 = arith.cmpi slt, %sub3A_484, %lt3A_516 : vector<16xi32>
        %select_n3A_518 = arith.select %lt3A_517, %mul3A_511, %get3A_503 : vector<16xi1>, vector<16xf32>
        %select_n3A_519 = arith.select %lt3A_514, %mul3A_507, %select_n3A_518 : vector<16xi1>, vector<16xf32>
        %mul3A_520 = arith.constant 16 : i32
        %mul3A_521 = arith.muli %scan3A_467, %mul3A_520 : i32
        %swap3A_522 = arith.index_cast %mul3A_521 : i32 to index
        %swap3A_523 = tpu.vector_load %arg7[%swap3A_522] {strides = array<i32>} : memref<21760xf32, #tpu.memory_space<vmem>>, vector<16xf32>,
        %swap3A_524 = vector.shape_cast %swap3A_523 : vector<16xf32> to vector<16xf32>
        %swap3A_525 = vector.shape_cast %select_n3A_519 : vector<16xf32> to vector<16xf32>
        tpu.vector_store %arg7[%swap3A_522], %swap3A_525 {strides = array<i32>} : memref<21760xf32, #tpu.memory_space<vmem>>, vector<16xf32>,
        %scan3A_526 = arith.constant 0 : i32
        scf.yield %scan3A_526 : i32
      }
      %scan3A_44 = arith.constant 1360 : i32
      "tpu.region"() ({
        %run_scoped3A = tpu.sem_alloc : memref<!tpu.dma_semaphore, #tpu.memory_space<semaphore_mem>>
        %dma_start3A = tpu.memref_slice %arg5[%add3A_32] : memref<7311360xf32, #tpu.memory_space<hbm>> -> memref<21760xf32, #tpu.memory_space<hbm>>
        %dma_start3A_46 = tpu.memref_slice %arg5[%add3A_32] : memref<7311360xf32, #tpu.memory_space<hbm>> -> memref<21760xf32, #tpu.memory_space<hbm>>
        tpu.enqueue_dma source(%arg7 : memref<21760xf32, #tpu.memory_space<vmem>>) target(%dma_start3A_46 : memref<21760xf32, #tpu.memory_space<hbm>>) target_semaphore(%run_scoped3A : memref<!tpu.dma_semaphore, #tpu.memory_space<semaphore_mem>>)
        %dma_wait3A = tpu.memref_slice %arg5[%add3A_32] : memref<7311360xf32, #tpu.memory_space<hbm>> -> memref<21760xf32, #tpu.memory_space<hbm>>
        %dma_wait3A_47 = tpu.memref_slice %arg5[%add3A_32] : memref<7311360xf32, #tpu.memory_space<hbm>> -> memref<21760xf32, #tpu.memory_space<hbm>>
        tpu.wait_dma2 semaphore(%run_scoped3A : memref<!tpu.dma_semaphore, #tpu.memory_space<semaphore_mem>>) src(%arg7 : memref<21760xf32, #tpu.memory_space<vmem>>) dst(%dma_wait3A_47 : memref<21760xf32, #tpu.memory_space<hbm>>)
        tpu.yield
      }) : () -> ()
      %scan3A_45 = arith.constant 0 : i32
      scf.yield %scan3A_45 : i32
    }
    %scan3A_8 = arith.constant 8 : i32
    %lt3A = arith.constant 16 : i32
    %lt3A_9 = arith.cmpi slt, %add3A, %lt3A : i32
    %convert_element_type3A = arith.extui %lt3A_9 : i1 to i32
    %cond3A = arith.constant 0 : i32
    %cond3A_10 = arith.cmpi ne, %convert_element_type3A, %cond3A : i32
    scf.if %cond3A_10 {
      %scan3A_15 = arith.constant 0 : i32
      %scan3A_16 = arith.constant 0 : i32
      %scan3A_17 = arith.constant 4 : i32
      %scan3A_18 = arith.addi %scan3A_16, %scan3A_17 : i32
      %scan3A_19 = arith.constant 1 : i32
      %scan3A_20 = scf.for %scan3A_22 = %scan3A_16 to %scan3A_18 step %scan3A_19 iter_args(%scan3A_23 = %scan3A_15) -> (i32)  : i32 {
        %mul3A_24 = arith.constant 87040 : i32
        %mul3A_25 = arith.muli %add3A, %mul3A_24 : i32
        %mul3A_26 = arith.constant 21760 : i32
        %mul3A_27 = arith.muli %scan3A_22, %mul3A_26 : i32
        %add3A_28 = arith.addi %mul3A_25, %mul3A_27 : i32
        %mul3A_29 = arith.constant 456960 : i32
        %mul3A_30 = arith.muli %add3A, %mul3A_29 : i32
        %add3A_31 = arith.constant 348160 : i32
        %add3A_32 = arith.addi %mul3A_30, %add3A_31 : i32
        %mul3A_33 = arith.constant 21760 : i32
        %mul3A_34 = arith.muli %scan3A_22, %mul3A_33 : i32
        %add3A_35 = arith.addi %add3A_32, %mul3A_34 : i32
        "tpu.region"() ({
          %run_scoped3A = tpu.sem_alloc : memref<!tpu.dma_semaphore, #tpu.memory_space<semaphore_mem>>
          %dma_start3A = tpu.memref_slice %arg3[%add3A_28] : memref<1392640xf32, #tpu.memory_space<hbm>> -> memref<21760xf32, #tpu.memory_space<hbm>>
          %dma_start3A_46 = tpu.memref_slice %arg3[%add3A_28] : memref<1392640xf32, #tpu.memory_space<hbm>> -> memref<21760xf32, #tpu.memory_space<hbm>>
          tpu.enqueue_dma source(%dma_start3A_46 : memref<21760xf32, #tpu.memory_space<hbm>>) target(%arg6 : memref<21760xf32, #tpu.memory_space<vmem>>) target_semaphore(%run_scoped3A : memref<!tpu.dma_semaphore, #tpu.memory_space<semaphore_mem>>)
          %dma_wait3A = tpu.memref_slice %arg3[%add3A_28] : memref<1392640xf32, #tpu.memory_space<hbm>> -> memref<21760xf32, #tpu.memory_space<hbm>>
          %dma_wait3A_47 = tpu.memref_slice %arg3[%add3A_28] : memref<1392640xf32, #tpu.memory_space<hbm>> -> memref<21760xf32, #tpu.memory_space<hbm>>
          tpu.wait_dma2 semaphore(%run_scoped3A : memref<!tpu.dma_semaphore, #tpu.memory_space<semaphore_mem>>) src(%dma_wait3A_47 : memref<21760xf32, #tpu.memory_space<hbm>>) dst(%arg6 : memref<21760xf32, #tpu.memory_space<vmem>>)
          tpu.yield
        }) : () -> ()
        %mul3A_36 = arith.constant 256 : i32
        %mul3A_37 = arith.muli %scan3A_22, %mul3A_36 : i32
        %scan3A_38 = arith.constant 0 : i32
        %scan3A_39 = arith.constant 0 : i32
        %scan3A_40 = arith.constant 1360 : i32
        %scan3A_41 = arith.addi %scan3A_39, %scan3A_40 : i32
        %scan3A_42 = arith.constant 8 : i32
        %scan3A_43 = scf.for %scan3A_46 = %scan3A_39 to %scan3A_41 step %scan3A_42 iter_args(%scan3A_47 = %scan3A_38) -> (i32)  : i32 {
          %mul3A_48 = arith.constant 16 : i32
          %mul3A_49 = arith.muli %scan3A_46, %mul3A_48 : i32
          %iota3A = tpu.iota {dimensions = array<i32: 0>} : vector<16xi32>
          %add3A_50 = vector.broadcast %mul3A_49 : i32 to vector<16xi32>
          %add3A_51 = arith.addi %add3A_50, %iota3A : vector<16xi32>
          %convert_element_type3A_52 = arith.sitofp %add3A_51 : vector<16xi32> to vector<16xf32>
          %add3A_53 = arith.constant 5.000000e-01 : f32
          %add3A_54 = vector.broadcast %add3A_53 : f32 to vector<16xf32>
          %add3A_55 = arith.addf %convert_element_type3A_52, %add3A_54 : vector<16xf32>
          %mul3A_56 = arith.constant 0.0117647061 : f32
          %mul3A_57 = vector.broadcast %mul3A_56 : f32 to vector<16xf32>
          %mul3A_58 = arith.mulf %add3A_55, %mul3A_57 : vector<16xf32>
          %convert_element_type3A_59 = arith.fptosi %mul3A_58 : vector<16xf32> to vector<16xi32>
          %mul3A_60 = arith.constant 85 : i32
          %mul3A_61 = vector.broadcast %mul3A_60 : i32 to vector<16xi32>
          %mul3A_62 = arith.muli %convert_element_type3A_59, %mul3A_61 : vector<16xi32>
          %sub3A = arith.subi %add3A_51, %mul3A_62 : vector<16xi32>
          %add3A_63 = vector.broadcast %mul3A_37 : i32 to vector<16xi32>
          %add3A_64 = arith.addi %add3A_63, %convert_element_type3A_59 : vector<16xi32>
          %and3A_65 = arith.constant 31 : i32
          %and3A_66 = vector.broadcast %and3A_65 : i32 to vector<16xi32>
          %and3A_67 = arith.andi %add3A_64, %and3A_66 : vector<16xi32>
          %convert_element_type3A_68 = arith.sitofp %and3A_67 : vector<16xi32> to vector<16xf32>
          %shift_right_arithmetic3A_69 = arith.constant 5 : i32
          %shift_right_arithmetic3A_70 = vector.broadcast %shift_right_arithmetic3A_69 : i32 to vector<16xi32>
          %shift_right_arithmetic3A_71 = arith.shrsi %add3A_64, %shift_right_arithmetic3A_70 : vector<16xi32>
          %convert_element_type3A_72 = arith.sitofp %shift_right_arithmetic3A_71 : vector<16xi32> to vector<16xf32>
          %eq3A = arith.constant 0 : i32
          %eq3A_73 = vector.broadcast %eq3A : i32 to vector<16xi32>
          %eq3A_74 = arith.cmpi eq, %sub3A, %eq3A_73 : vector<16xi32>
          %select_n3A = arith.select %eq3A_74, %convert_element_type3A_68, %convert_element_type3A_72 : vector<16xi1>, vector<16xf32>
          %mul3A_75 = arith.constant 16 : i32
          %mul3A_76 = arith.muli %scan3A_46, %mul3A_75 : i32
          %get3A = arith.index_cast %mul3A_76 : i32 to index
          %get3A_77 = tpu.vector_load %arg6[%get3A] {strides = array<i32>} : memref<21760xf32, #tpu.memory_space<vmem>>, vector<16xf32>,
          %get3A_78 = vector.shape_cast %get3A_77 : vector<16xf32> to vector<16xf32>
          %add3A_79 = arith.addf %get3A_78, %select_n3A : vector<16xf32>
          %mul3A_80 = arith.constant 1.600000e+01 : f32
          %mul3A_81 = vector.broadcast %mul3A_80 : f32 to vector<16xf32>
          %mul3A_82 = arith.mulf %add3A_79, %mul3A_81 : vector<16xf32>
          %exp3A = math.exp %get3A_78 : vector<16xf32>
          %mul3A_83 = arith.constant 1.600000e+01 : f32
          %mul3A_84 = vector.broadcast %mul3A_83 : f32 to vector<16xf32>
          %mul3A_85 = arith.mulf %exp3A, %mul3A_84 : vector<16xf32>
          %lt3A_86 = arith.constant 2 : i32
          %lt3A_87 = vector.broadcast %lt3A_86 : i32 to vector<16xi32>
          %lt3A_88 = arith.cmpi slt, %sub3A, %lt3A_87 : vector<16xi32>
          %lt3A_89 = arith.constant 4 : i32
          %lt3A_90 = vector.broadcast %lt3A_89 : i32 to vector<16xi32>
          %lt3A_91 = arith.cmpi slt, %sub3A, %lt3A_90 : vector<16xi32>
          %select_n3A_92 = arith.select %lt3A_91, %mul3A_85, %get3A_78 : vector<16xi1>, vector<16xf32>
          %select_n3A_93 = arith.select %lt3A_88, %mul3A_82, %select_n3A_92 : vector<16xi1>, vector<16xf32>
          %mul3A_94 = arith.constant 16 : i32
          %mul3A_95 = arith.muli %scan3A_46, %mul3A_94 : i32
          %swap3A = arith.index_cast %mul3A_95 : i32 to index
          %swap3A_96 = tpu.vector_load %arg7[%swap3A] {strides = array<i32>} : memref<21760xf32, #tpu.memory_space<vmem>>, vector<16xf32>,
          %swap3A_97 = vector.shape_cast %swap3A_96 : vector<16xf32> to vector<16xf32>
          %swap3A_98 = vector.shape_cast %select_n3A_93 : vector<16xf32> to vector<16xf32>
          tpu.vector_store %arg7[%swap3A], %swap3A_98 {strides = array<i32>} : memref<21760xf32, #tpu.memory_space<vmem>>, vector<16xf32>,
          %scan3A_99 = arith.constant 0 : i32
          %scan3A_100 = arith.constant 1 : i32
          %scan3A_101 = arith.addi %scan3A_46, %scan3A_100 : i32
          %mul3A_102 = arith.constant 16 : i32
          %mul3A_103 = arith.muli %scan3A_101, %mul3A_102 : i32
          %iota3A_104 = tpu.iota {dimensions = array<i32: 0>} : vector<16xi32>
          %add3A_105 = vector.broadcast %mul3A_103 : i32 to vector<16xi32>
          %add3A_106 = arith.addi %add3A_105, %iota3A_104 : vector<16xi32>
          %convert_element_type3A_107 = arith.sitofp %add3A_106 : vector<16xi32> to vector<16xf32>
          %add3A_108 = arith.constant 5.000000e-01 : f32
          %add3A_109 = vector.broadcast %add3A_108 : f32 to vector<16xf32>
          %add3A_110 = arith.addf %convert_element_type3A_107, %add3A_109 : vector<16xf32>
          %mul3A_111 = arith.constant 0.0117647061 : f32
          %mul3A_112 = vector.broadcast %mul3A_111 : f32 to vector<16xf32>
          %mul3A_113 = arith.mulf %add3A_110, %mul3A_112 : vector<16xf32>
          %convert_element_type3A_114 = arith.fptosi %mul3A_113 : vector<16xf32> to vector<16xi32>
          %mul3A_115 = arith.constant 85 : i32
          %mul3A_116 = vector.broadcast %mul3A_115 : i32 to vector<16xi32>
          %mul3A_117 = arith.muli %convert_element_type3A_114, %mul3A_116 : vector<16xi32>
          %sub3A_118 = arith.subi %add3A_106, %mul3A_117 : vector<16xi32>
          %add3A_119 = vector.broadcast %mul3A_37 : i32 to vector<16xi32>
          %add3A_120 = arith.addi %add3A_119, %convert_element_type3A_114 : vector<16xi32>
          %and3A_121 = arith.constant 31 : i32
          %and3A_122 = vector.broadcast %and3A_121 : i32 to vector<16xi32>
          %and3A_123 = arith.andi %add3A_120, %and3A_122 : vector<16xi32>
          %convert_element_type3A_124 = arith.sitofp %and3A_123 : vector<16xi32> to vector<16xf32>
          %shift_right_arithmetic3A_125 = arith.constant 5 : i32
          %shift_right_arithmetic3A_126 = vector.broadcast %shift_right_arithmetic3A_125 : i32 to vector<16xi32>
          %shift_right_arithmetic3A_127 = arith.shrsi %add3A_120, %shift_right_arithmetic3A_126 : vector<16xi32>
          %convert_element_type3A_128 = arith.sitofp %shift_right_arithmetic3A_127 : vector<16xi32> to vector<16xf32>
          %eq3A_129 = arith.constant 0 : i32
          %eq3A_130 = vector.broadcast %eq3A_129 : i32 to vector<16xi32>
          %eq3A_131 = arith.cmpi eq, %sub3A_118, %eq3A_130 : vector<16xi32>
          %select_n3A_132 = arith.select %eq3A_131, %convert_element_type3A_124, %convert_element_type3A_128 : vector<16xi1>, vector<16xf32>
          %mul3A_133 = arith.constant 16 : i32
          %mul3A_134 = arith.muli %scan3A_101, %mul3A_133 : i32
          %get3A_135 = arith.index_cast %mul3A_134 : i32 to index
          %get3A_136 = tpu.vector_load %arg6[%get3A_135] {strides = array<i32>} : memref<21760xf32, #tpu.memory_space<vmem>>, vector<16xf32>,
          %get3A_137 = vector.shape_cast %get3A_136 : vector<16xf32> to vector<16xf32>
          %add3A_138 = arith.addf %get3A_137, %select_n3A_132 : vector<16xf32>
          %mul3A_139 = arith.constant 1.600000e+01 : f32
          %mul3A_140 = vector.broadcast %mul3A_139 : f32 to vector<16xf32>
          %mul3A_141 = arith.mulf %add3A_138, %mul3A_140 : vector<16xf32>
          %exp3A_142 = math.exp %get3A_137 : vector<16xf32>
          %mul3A_143 = arith.constant 1.600000e+01 : f32
          %mul3A_144 = vector.broadcast %mul3A_143 : f32 to vector<16xf32>
          %mul3A_145 = arith.mulf %exp3A_142, %mul3A_144 : vector<16xf32>
          %lt3A_146 = arith.constant 2 : i32
          %lt3A_147 = vector.broadcast %lt3A_146 : i32 to vector<16xi32>
          %lt3A_148 = arith.cmpi slt, %sub3A_118, %lt3A_147 : vector<16xi32>
          %lt3A_149 = arith.constant 4 : i32
          %lt3A_150 = vector.broadcast %lt3A_149 : i32 to vector<16xi32>
          %lt3A_151 = arith.cmpi slt, %sub3A_118, %lt3A_150 : vector<16xi32>
          %select_n3A_152 = arith.select %lt3A_151, %mul3A_145, %get3A_137 : vector<16xi1>, vector<16xf32>
          %select_n3A_153 = arith.select %lt3A_148, %mul3A_141, %select_n3A_152 : vector<16xi1>, vector<16xf32>
          %mul3A_154 = arith.constant 16 : i32
          %mul3A_155 = arith.muli %scan3A_101, %mul3A_154 : i32
          %swap3A_156 = arith.index_cast %mul3A_155 : i32 to index
          %swap3A_157 = tpu.vector_load %arg7[%swap3A_156] {strides = array<i32>} : memref<21760xf32, #tpu.memory_space<vmem>>, vector<16xf32>,
          %swap3A_158 = vector.shape_cast %swap3A_157 : vector<16xf32> to vector<16xf32>
          %swap3A_159 = vector.shape_cast %select_n3A_153 : vector<16xf32> to vector<16xf32>
          tpu.vector_store %arg7[%swap3A_156], %swap3A_159 {strides = array<i32>} : memref<21760xf32, #tpu.memory_space<vmem>>, vector<16xf32>,
          %scan3A_160 = arith.constant 0 : i32
          %scan3A_161 = arith.constant 2 : i32
          %scan3A_162 = arith.addi %scan3A_46, %scan3A_161 : i32
          %mul3A_163 = arith.constant 16 : i32
          %mul3A_164 = arith.muli %scan3A_162, %mul3A_163 : i32
          %iota3A_165 = tpu.iota {dimensions = array<i32: 0>} : vector<16xi32>
          %add3A_166 = vector.broadcast %mul3A_164 : i32 to vector<16xi32>
          %add3A_167 = arith.addi %add3A_166, %iota3A_165 : vector<16xi32>
          %convert_element_type3A_168 = arith.sitofp %add3A_167 : vector<16xi32> to vector<16xf32>
          %add3A_169 = arith.constant 5.000000e-01 : f32
          %add3A_170 = vector.broadcast %add3A_169 : f32 to vector<16xf32>
          %add3A_171 = arith.addf %convert_element_type3A_168, %add3A_170 : vector<16xf32>
          %mul3A_172 = arith.constant 0.0117647061 : f32
          %mul3A_173 = vector.broadcast %mul3A_172 : f32 to vector<16xf32>
          %mul3A_174 = arith.mulf %add3A_171, %mul3A_173 : vector<16xf32>
          %convert_element_type3A_175 = arith.fptosi %mul3A_174 : vector<16xf32> to vector<16xi32>
          %mul3A_176 = arith.constant 85 : i32
          %mul3A_177 = vector.broadcast %mul3A_176 : i32 to vector<16xi32>
          %mul3A_178 = arith.muli %convert_element_type3A_175, %mul3A_177 : vector<16xi32>
          %sub3A_179 = arith.subi %add3A_167, %mul3A_178 : vector<16xi32>
          %add3A_180 = vector.broadcast %mul3A_37 : i32 to vector<16xi32>
          %add3A_181 = arith.addi %add3A_180, %convert_element_type3A_175 : vector<16xi32>
          %and3A_182 = arith.constant 31 : i32
          %and3A_183 = vector.broadcast %and3A_182 : i32 to vector<16xi32>
          %and3A_184 = arith.andi %add3A_181, %and3A_183 : vector<16xi32>
          %convert_element_type3A_185 = arith.sitofp %and3A_184 : vector<16xi32> to vector<16xf32>
          %shift_right_arithmetic3A_186 = arith.constant 5 : i32
          %shift_right_arithmetic3A_187 = vector.broadcast %shift_right_arithmetic3A_186 : i32 to vector<16xi32>
          %shift_right_arithmetic3A_188 = arith.shrsi %add3A_181, %shift_right_arithmetic3A_187 : vector<16xi32>
          %convert_element_type3A_189 = arith.sitofp %shift_right_arithmetic3A_188 : vector<16xi32> to vector<16xf32>
          %eq3A_190 = arith.constant 0 : i32
          %eq3A_191 = vector.broadcast %eq3A_190 : i32 to vector<16xi32>
          %eq3A_192 = arith.cmpi eq, %sub3A_179, %eq3A_191 : vector<16xi32>
          %select_n3A_193 = arith.select %eq3A_192, %convert_element_type3A_185, %convert_element_type3A_189 : vector<16xi1>, vector<16xf32>
          %mul3A_194 = arith.constant 16 : i32
          %mul3A_195 = arith.muli %scan3A_162, %mul3A_194 : i32
          %get3A_196 = arith.index_cast %mul3A_195 : i32 to index
          %get3A_197 = tpu.vector_load %arg6[%get3A_196] {strides = array<i32>} : memref<21760xf32, #tpu.memory_space<vmem>>, vector<16xf32>,
          %get3A_198 = vector.shape_cast %get3A_197 : vector<16xf32> to vector<16xf32>
          %add3A_199 = arith.addf %get3A_198, %select_n3A_193 : vector<16xf32>
          %mul3A_200 = arith.constant 1.600000e+01 : f32
          %mul3A_201 = vector.broadcast %mul3A_200 : f32 to vector<16xf32>
          %mul3A_202 = arith.mulf %add3A_199, %mul3A_201 : vector<16xf32>
          %exp3A_203 = math.exp %get3A_198 : vector<16xf32>
          %mul3A_204 = arith.constant 1.600000e+01 : f32
          %mul3A_205 = vector.broadcast %mul3A_204 : f32 to vector<16xf32>
          %mul3A_206 = arith.mulf %exp3A_203, %mul3A_205 : vector<16xf32>
          %lt3A_207 = arith.constant 2 : i32
          %lt3A_208 = vector.broadcast %lt3A_207 : i32 to vector<16xi32>
          %lt3A_209 = arith.cmpi slt, %sub3A_179, %lt3A_208 : vector<16xi32>
          %lt3A_210 = arith.constant 4 : i32
          %lt3A_211 = vector.broadcast %lt3A_210 : i32 to vector<16xi32>
          %lt3A_212 = arith.cmpi slt, %sub3A_179, %lt3A_211 : vector<16xi32>
          %select_n3A_213 = arith.select %lt3A_212, %mul3A_206, %get3A_198 : vector<16xi1>, vector<16xf32>
          %select_n3A_214 = arith.select %lt3A_209, %mul3A_202, %select_n3A_213 : vector<16xi1>, vector<16xf32>
          %mul3A_215 = arith.constant 16 : i32
          %mul3A_216 = arith.muli %scan3A_162, %mul3A_215 : i32
          %swap3A_217 = arith.index_cast %mul3A_216 : i32 to index
          %swap3A_218 = tpu.vector_load %arg7[%swap3A_217] {strides = array<i32>} : memref<21760xf32, #tpu.memory_space<vmem>>, vector<16xf32>,
          %swap3A_219 = vector.shape_cast %swap3A_218 : vector<16xf32> to vector<16xf32>
          %swap3A_220 = vector.shape_cast %select_n3A_214 : vector<16xf32> to vector<16xf32>
          tpu.vector_store %arg7[%swap3A_217], %swap3A_220 {strides = array<i32>} : memref<21760xf32, #tpu.memory_space<vmem>>, vector<16xf32>,
          %scan3A_221 = arith.constant 0 : i32
          %scan3A_222 = arith.constant 3 : i32
          %scan3A_223 = arith.addi %scan3A_46, %scan3A_222 : i32
          %mul3A_224 = arith.constant 16 : i32
          %mul3A_225 = arith.muli %scan3A_223, %mul3A_224 : i32
          %iota3A_226 = tpu.iota {dimensions = array<i32: 0>} : vector<16xi32>
          %add3A_227 = vector.broadcast %mul3A_225 : i32 to vector<16xi32>
          %add3A_228 = arith.addi %add3A_227, %iota3A_226 : vector<16xi32>
          %convert_element_type3A_229 = arith.sitofp %add3A_228 : vector<16xi32> to vector<16xf32>
          %add3A_230 = arith.constant 5.000000e-01 : f32
          %add3A_231 = vector.broadcast %add3A_230 : f32 to vector<16xf32>
          %add3A_232 = arith.addf %convert_element_type3A_229, %add3A_231 : vector<16xf32>
          %mul3A_233 = arith.constant 0.0117647061 : f32
          %mul3A_234 = vector.broadcast %mul3A_233 : f32 to vector<16xf32>
          %mul3A_235 = arith.mulf %add3A_232, %mul3A_234 : vector<16xf32>
          %convert_element_type3A_236 = arith.fptosi %mul3A_235 : vector<16xf32> to vector<16xi32>
          %mul3A_237 = arith.constant 85 : i32
          %mul3A_238 = vector.broadcast %mul3A_237 : i32 to vector<16xi32>
          %mul3A_239 = arith.muli %convert_element_type3A_236, %mul3A_238 : vector<16xi32>
          %sub3A_240 = arith.subi %add3A_228, %mul3A_239 : vector<16xi32>
          %add3A_241 = vector.broadcast %mul3A_37 : i32 to vector<16xi32>
          %add3A_242 = arith.addi %add3A_241, %convert_element_type3A_236 : vector<16xi32>
          %and3A_243 = arith.constant 31 : i32
          %and3A_244 = vector.broadcast %and3A_243 : i32 to vector<16xi32>
          %and3A_245 = arith.andi %add3A_242, %and3A_244 : vector<16xi32>
          %convert_element_type3A_246 = arith.sitofp %and3A_245 : vector<16xi32> to vector<16xf32>
          %shift_right_arithmetic3A_247 = arith.constant 5 : i32
          %shift_right_arithmetic3A_248 = vector.broadcast %shift_right_arithmetic3A_247 : i32 to vector<16xi32>
          %shift_right_arithmetic3A_249 = arith.shrsi %add3A_242, %shift_right_arithmetic3A_248 : vector<16xi32>
          %convert_element_type3A_250 = arith.sitofp %shift_right_arithmetic3A_249 : vector<16xi32> to vector<16xf32>
          %eq3A_251 = arith.constant 0 : i32
          %eq3A_252 = vector.broadcast %eq3A_251 : i32 to vector<16xi32>
          %eq3A_253 = arith.cmpi eq, %sub3A_240, %eq3A_252 : vector<16xi32>
          %select_n3A_254 = arith.select %eq3A_253, %convert_element_type3A_246, %convert_element_type3A_250 : vector<16xi1>, vector<16xf32>
          %mul3A_255 = arith.constant 16 : i32
          %mul3A_256 = arith.muli %scan3A_223, %mul3A_255 : i32
          %get3A_257 = arith.index_cast %mul3A_256 : i32 to index
          %get3A_258 = tpu.vector_load %arg6[%get3A_257] {strides = array<i32>} : memref<21760xf32, #tpu.memory_space<vmem>>, vector<16xf32>,
          %get3A_259 = vector.shape_cast %get3A_258 : vector<16xf32> to vector<16xf32>
          %add3A_260 = arith.addf %get3A_259, %select_n3A_254 : vector<16xf32>
          %mul3A_261 = arith.constant 1.600000e+01 : f32
          %mul3A_262 = vector.broadcast %mul3A_261 : f32 to vector<16xf32>
          %mul3A_263 = arith.mulf %add3A_260, %mul3A_262 : vector<16xf32>
          %exp3A_264 = math.exp %get3A_259 : vector<16xf32>
          %mul3A_265 = arith.constant 1.600000e+01 : f32
          %mul3A_266 = vector.broadcast %mul3A_265 : f32 to vector<16xf32>
          %mul3A_267 = arith.mulf %exp3A_264, %mul3A_266 : vector<16xf32>
          %lt3A_268 = arith.constant 2 : i32
          %lt3A_269 = vector.broadcast %lt3A_268 : i32 to vector<16xi32>
          %lt3A_270 = arith.cmpi slt, %sub3A_240, %lt3A_269 : vector<16xi32>
          %lt3A_271 = arith.constant 4 : i32
          %lt3A_272 = vector.broadcast %lt3A_271 : i32 to vector<16xi32>
          %lt3A_273 = arith.cmpi slt, %sub3A_240, %lt3A_272 : vector<16xi32>
          %select_n3A_274 = arith.select %lt3A_273, %mul3A_267, %get3A_259 : vector<16xi1>, vector<16xf32>
          %select_n3A_275 = arith.select %lt3A_270, %mul3A_263, %select_n3A_274 : vector<16xi1>, vector<16xf32>
          %mul3A_276 = arith.constant 16 : i32
          %mul3A_277 = arith.muli %scan3A_223, %mul3A_276 : i32
          %swap3A_278 = arith.index_cast %mul3A_277 : i32 to index
          %swap3A_279 = tpu.vector_load %arg7[%swap3A_278] {strides = array<i32>} : memref<21760xf32, #tpu.memory_space<vmem>>, vector<16xf32>,
          %swap3A_280 = vector.shape_cast %swap3A_279 : vector<16xf32> to vector<16xf32>
          %swap3A_281 = vector.shape_cast %select_n3A_275 : vector<16xf32> to vector<16xf32>
          tpu.vector_store %arg7[%swap3A_278], %swap3A_281 {strides = array<i32>} : memref<21760xf32, #tpu.memory_space<vmem>>, vector<16xf32>,
          %scan3A_282 = arith.constant 0 : i32
          %scan3A_283 = arith.constant 4 : i32
          %scan3A_284 = arith.addi %scan3A_46, %scan3A_283 : i32
          %mul3A_285 = arith.constant 16 : i32
          %mul3A_286 = arith.muli %scan3A_284, %mul3A_285 : i32
          %iota3A_287 = tpu.iota {dimensions = array<i32: 0>} : vector<16xi32>
          %add3A_288 = vector.broadcast %mul3A_286 : i32 to vector<16xi32>
          %add3A_289 = arith.addi %add3A_288, %iota3A_287 : vector<16xi32>
          %convert_element_type3A_290 = arith.sitofp %add3A_289 : vector<16xi32> to vector<16xf32>
          %add3A_291 = arith.constant 5.000000e-01 : f32
          %add3A_292 = vector.broadcast %add3A_291 : f32 to vector<16xf32>
          %add3A_293 = arith.addf %convert_element_type3A_290, %add3A_292 : vector<16xf32>
          %mul3A_294 = arith.constant 0.0117647061 : f32
          %mul3A_295 = vector.broadcast %mul3A_294 : f32 to vector<16xf32>
          %mul3A_296 = arith.mulf %add3A_293, %mul3A_295 : vector<16xf32>
          %convert_element_type3A_297 = arith.fptosi %mul3A_296 : vector<16xf32> to vector<16xi32>
          %mul3A_298 = arith.constant 85 : i32
          %mul3A_299 = vector.broadcast %mul3A_298 : i32 to vector<16xi32>
          %mul3A_300 = arith.muli %convert_element_type3A_297, %mul3A_299 : vector<16xi32>
          %sub3A_301 = arith.subi %add3A_289, %mul3A_300 : vector<16xi32>
          %add3A_302 = vector.broadcast %mul3A_37 : i32 to vector<16xi32>
          %add3A_303 = arith.addi %add3A_302, %convert_element_type3A_297 : vector<16xi32>
          %and3A_304 = arith.constant 31 : i32
          %and3A_305 = vector.broadcast %and3A_304 : i32 to vector<16xi32>
          %and3A_306 = arith.andi %add3A_303, %and3A_305 : vector<16xi32>
          %convert_element_type3A_307 = arith.sitofp %and3A_306 : vector<16xi32> to vector<16xf32>
          %shift_right_arithmetic3A_308 = arith.constant 5 : i32
          %shift_right_arithmetic3A_309 = vector.broadcast %shift_right_arithmetic3A_308 : i32 to vector<16xi32>
          %shift_right_arithmetic3A_310 = arith.shrsi %add3A_303, %shift_right_arithmetic3A_309 : vector<16xi32>
          %convert_element_type3A_311 = arith.sitofp %shift_right_arithmetic3A_310 : vector<16xi32> to vector<16xf32>
          %eq3A_312 = arith.constant 0 : i32
          %eq3A_313 = vector.broadcast %eq3A_312 : i32 to vector<16xi32>
          %eq3A_314 = arith.cmpi eq, %sub3A_301, %eq3A_313 : vector<16xi32>
          %select_n3A_315 = arith.select %eq3A_314, %convert_element_type3A_307, %convert_element_type3A_311 : vector<16xi1>, vector<16xf32>
          %mul3A_316 = arith.constant 16 : i32
          %mul3A_317 = arith.muli %scan3A_284, %mul3A_316 : i32
          %get3A_318 = arith.index_cast %mul3A_317 : i32 to index
          %get3A_319 = tpu.vector_load %arg6[%get3A_318] {strides = array<i32>} : memref<21760xf32, #tpu.memory_space<vmem>>, vector<16xf32>,
          %get3A_320 = vector.shape_cast %get3A_319 : vector<16xf32> to vector<16xf32>
          %add3A_321 = arith.addf %get3A_320, %select_n3A_315 : vector<16xf32>
          %mul3A_322 = arith.constant 1.600000e+01 : f32
          %mul3A_323 = vector.broadcast %mul3A_322 : f32 to vector<16xf32>
          %mul3A_324 = arith.mulf %add3A_321, %mul3A_323 : vector<16xf32>
          %exp3A_325 = math.exp %get3A_320 : vector<16xf32>
          %mul3A_326 = arith.constant 1.600000e+01 : f32
          %mul3A_327 = vector.broadcast %mul3A_326 : f32 to vector<16xf32>
          %mul3A_328 = arith.mulf %exp3A_325, %mul3A_327 : vector<16xf32>
          %lt3A_329 = arith.constant 2 : i32
          %lt3A_330 = vector.broadcast %lt3A_329 : i32 to vector<16xi32>
          %lt3A_331 = arith.cmpi slt, %sub3A_301, %lt3A_330 : vector<16xi32>
          %lt3A_332 = arith.constant 4 : i32
          %lt3A_333 = vector.broadcast %lt3A_332 : i32 to vector<16xi32>
          %lt3A_334 = arith.cmpi slt, %sub3A_301, %lt3A_333 : vector<16xi32>
          %select_n3A_335 = arith.select %lt3A_334, %mul3A_328, %get3A_320 : vector<16xi1>, vector<16xf32>
          %select_n3A_336 = arith.select %lt3A_331, %mul3A_324, %select_n3A_335 : vector<16xi1>, vector<16xf32>
          %mul3A_337 = arith.constant 16 : i32
          %mul3A_338 = arith.muli %scan3A_284, %mul3A_337 : i32
          %swap3A_339 = arith.index_cast %mul3A_338 : i32 to index
          %swap3A_340 = tpu.vector_load %arg7[%swap3A_339] {strides = array<i32>} : memref<21760xf32, #tpu.memory_space<vmem>>, vector<16xf32>,
          %swap3A_341 = vector.shape_cast %swap3A_340 : vector<16xf32> to vector<16xf32>
          %swap3A_342 = vector.shape_cast %select_n3A_336 : vector<16xf32> to vector<16xf32>
          tpu.vector_store %arg7[%swap3A_339], %swap3A_342 {strides = array<i32>} : memref<21760xf32, #tpu.memory_space<vmem>>, vector<16xf32>,
          %scan3A_343 = arith.constant 0 : i32
          %scan3A_344 = arith.constant 5 : i32
          %scan3A_345 = arith.addi %scan3A_46, %scan3A_344 : i32
          %mul3A_346 = arith.constant 16 : i32
          %mul3A_347 = arith.muli %scan3A_345, %mul3A_346 : i32
          %iota3A_348 = tpu.iota {dimensions = array<i32: 0>} : vector<16xi32>
          %add3A_349 = vector.broadcast %mul3A_347 : i32 to vector<16xi32>
          %add3A_350 = arith.addi %add3A_349, %iota3A_348 : vector<16xi32>
          %convert_element_type3A_351 = arith.sitofp %add3A_350 : vector<16xi32> to vector<16xf32>
          %add3A_352 = arith.constant 5.000000e-01 : f32
          %add3A_353 = vector.broadcast %add3A_352 : f32 to vector<16xf32>
          %add3A_354 = arith.addf %convert_element_type3A_351, %add3A_353 : vector<16xf32>
          %mul3A_355 = arith.constant 0.0117647061 : f32
          %mul3A_356 = vector.broadcast %mul3A_355 : f32 to vector<16xf32>
          %mul3A_357 = arith.mulf %add3A_354, %mul3A_356 : vector<16xf32>
          %convert_element_type3A_358 = arith.fptosi %mul3A_357 : vector<16xf32> to vector<16xi32>
          %mul3A_359 = arith.constant 85 : i32
          %mul3A_360 = vector.broadcast %mul3A_359 : i32 to vector<16xi32>
          %mul3A_361 = arith.muli %convert_element_type3A_358, %mul3A_360 : vector<16xi32>
          %sub3A_362 = arith.subi %add3A_350, %mul3A_361 : vector<16xi32>
          %add3A_363 = vector.broadcast %mul3A_37 : i32 to vector<16xi32>
          %add3A_364 = arith.addi %add3A_363, %convert_element_type3A_358 : vector<16xi32>
          %and3A_365 = arith.constant 31 : i32
          %and3A_366 = vector.broadcast %and3A_365 : i32 to vector<16xi32>
          %and3A_367 = arith.andi %add3A_364, %and3A_366 : vector<16xi32>
          %convert_element_type3A_368 = arith.sitofp %and3A_367 : vector<16xi32> to vector<16xf32>
          %shift_right_arithmetic3A_369 = arith.constant 5 : i32
          %shift_right_arithmetic3A_370 = vector.broadcast %shift_right_arithmetic3A_369 : i32 to vector<16xi32>
          %shift_right_arithmetic3A_371 = arith.shrsi %add3A_364, %shift_right_arithmetic3A_370 : vector<16xi32>
          %convert_element_type3A_372 = arith.sitofp %shift_right_arithmetic3A_371 : vector<16xi32> to vector<16xf32>
          %eq3A_373 = arith.constant 0 : i32
          %eq3A_374 = vector.broadcast %eq3A_373 : i32 to vector<16xi32>
          %eq3A_375 = arith.cmpi eq, %sub3A_362, %eq3A_374 : vector<16xi32>
          %select_n3A_376 = arith.select %eq3A_375, %convert_element_type3A_368, %convert_element_type3A_372 : vector<16xi1>, vector<16xf32>
          %mul3A_377 = arith.constant 16 : i32
          %mul3A_378 = arith.muli %scan3A_345, %mul3A_377 : i32
          %get3A_379 = arith.index_cast %mul3A_378 : i32 to index
          %get3A_380 = tpu.vector_load %arg6[%get3A_379] {strides = array<i32>} : memref<21760xf32, #tpu.memory_space<vmem>>, vector<16xf32>,
          %get3A_381 = vector.shape_cast %get3A_380 : vector<16xf32> to vector<16xf32>
          %add3A_382 = arith.addf %get3A_381, %select_n3A_376 : vector<16xf32>
          %mul3A_383 = arith.constant 1.600000e+01 : f32
          %mul3A_384 = vector.broadcast %mul3A_383 : f32 to vector<16xf32>
          %mul3A_385 = arith.mulf %add3A_382, %mul3A_384 : vector<16xf32>
          %exp3A_386 = math.exp %get3A_381 : vector<16xf32>
          %mul3A_387 = arith.constant 1.600000e+01 : f32
          %mul3A_388 = vector.broadcast %mul3A_387 : f32 to vector<16xf32>
          %mul3A_389 = arith.mulf %exp3A_386, %mul3A_388 : vector<16xf32>
          %lt3A_390 = arith.constant 2 : i32
          %lt3A_391 = vector.broadcast %lt3A_390 : i32 to vector<16xi32>
          %lt3A_392 = arith.cmpi slt, %sub3A_362, %lt3A_391 : vector<16xi32>
          %lt3A_393 = arith.constant 4 : i32
          %lt3A_394 = vector.broadcast %lt3A_393 : i32 to vector<16xi32>
          %lt3A_395 = arith.cmpi slt, %sub3A_362, %lt3A_394 : vector<16xi32>
          %select_n3A_396 = arith.select %lt3A_395, %mul3A_389, %get3A_381 : vector<16xi1>, vector<16xf32>
          %select_n3A_397 = arith.select %lt3A_392, %mul3A_385, %select_n3A_396 : vector<16xi1>, vector<16xf32>
          %mul3A_398 = arith.constant 16 : i32
          %mul3A_399 = arith.muli %scan3A_345, %mul3A_398 : i32
          %swap3A_400 = arith.index_cast %mul3A_399 : i32 to index
          %swap3A_401 = tpu.vector_load %arg7[%swap3A_400] {strides = array<i32>} : memref<21760xf32, #tpu.memory_space<vmem>>, vector<16xf32>,
          %swap3A_402 = vector.shape_cast %swap3A_401 : vector<16xf32> to vector<16xf32>
          %swap3A_403 = vector.shape_cast %select_n3A_397 : vector<16xf32> to vector<16xf32>
          tpu.vector_store %arg7[%swap3A_400], %swap3A_403 {strides = array<i32>} : memref<21760xf32, #tpu.memory_space<vmem>>, vector<16xf32>,
          %scan3A_404 = arith.constant 0 : i32
          %scan3A_405 = arith.constant 6 : i32
          %scan3A_406 = arith.addi %scan3A_46, %scan3A_405 : i32
          %mul3A_407 = arith.constant 16 : i32
          %mul3A_408 = arith.muli %scan3A_406, %mul3A_407 : i32
          %iota3A_409 = tpu.iota {dimensions = array<i32: 0>} : vector<16xi32>
          %add3A_410 = vector.broadcast %mul3A_408 : i32 to vector<16xi32>
          %add3A_411 = arith.addi %add3A_410, %iota3A_409 : vector<16xi32>
          %convert_element_type3A_412 = arith.sitofp %add3A_411 : vector<16xi32> to vector<16xf32>
          %add3A_413 = arith.constant 5.000000e-01 : f32
          %add3A_414 = vector.broadcast %add3A_413 : f32 to vector<16xf32>
          %add3A_415 = arith.addf %convert_element_type3A_412, %add3A_414 : vector<16xf32>
          %mul3A_416 = arith.constant 0.0117647061 : f32
          %mul3A_417 = vector.broadcast %mul3A_416 : f32 to vector<16xf32>
          %mul3A_418 = arith.mulf %add3A_415, %mul3A_417 : vector<16xf32>
          %convert_element_type3A_419 = arith.fptosi %mul3A_418 : vector<16xf32> to vector<16xi32>
          %mul3A_420 = arith.constant 85 : i32
          %mul3A_421 = vector.broadcast %mul3A_420 : i32 to vector<16xi32>
          %mul3A_422 = arith.muli %convert_element_type3A_419, %mul3A_421 : vector<16xi32>
          %sub3A_423 = arith.subi %add3A_411, %mul3A_422 : vector<16xi32>
          %add3A_424 = vector.broadcast %mul3A_37 : i32 to vector<16xi32>
          %add3A_425 = arith.addi %add3A_424, %convert_element_type3A_419 : vector<16xi32>
          %and3A_426 = arith.constant 31 : i32
          %and3A_427 = vector.broadcast %and3A_426 : i32 to vector<16xi32>
          %and3A_428 = arith.andi %add3A_425, %and3A_427 : vector<16xi32>
          %convert_element_type3A_429 = arith.sitofp %and3A_428 : vector<16xi32> to vector<16xf32>
          %shift_right_arithmetic3A_430 = arith.constant 5 : i32
          %shift_right_arithmetic3A_431 = vector.broadcast %shift_right_arithmetic3A_430 : i32 to vector<16xi32>
          %shift_right_arithmetic3A_432 = arith.shrsi %add3A_425, %shift_right_arithmetic3A_431 : vector<16xi32>
          %convert_element_type3A_433 = arith.sitofp %shift_right_arithmetic3A_432 : vector<16xi32> to vector<16xf32>
          %eq3A_434 = arith.constant 0 : i32
          %eq3A_435 = vector.broadcast %eq3A_434 : i32 to vector<16xi32>
          %eq3A_436 = arith.cmpi eq, %sub3A_423, %eq3A_435 : vector<16xi32>
          %select_n3A_437 = arith.select %eq3A_436, %convert_element_type3A_429, %convert_element_type3A_433 : vector<16xi1>, vector<16xf32>
          %mul3A_438 = arith.constant 16 : i32
          %mul3A_439 = arith.muli %scan3A_406, %mul3A_438 : i32
          %get3A_440 = arith.index_cast %mul3A_439 : i32 to index
          %get3A_441 = tpu.vector_load %arg6[%get3A_440] {strides = array<i32>} : memref<21760xf32, #tpu.memory_space<vmem>>, vector<16xf32>,
          %get3A_442 = vector.shape_cast %get3A_441 : vector<16xf32> to vector<16xf32>
          %add3A_443 = arith.addf %get3A_442, %select_n3A_437 : vector<16xf32>
          %mul3A_444 = arith.constant 1.600000e+01 : f32
          %mul3A_445 = vector.broadcast %mul3A_444 : f32 to vector<16xf32>
          %mul3A_446 = arith.mulf %add3A_443, %mul3A_445 : vector<16xf32>
          %exp3A_447 = math.exp %get3A_442 : vector<16xf32>
          %mul3A_448 = arith.constant 1.600000e+01 : f32
          %mul3A_449 = vector.broadcast %mul3A_448 : f32 to vector<16xf32>
          %mul3A_450 = arith.mulf %exp3A_447, %mul3A_449 : vector<16xf32>
          %lt3A_451 = arith.constant 2 : i32
          %lt3A_452 = vector.broadcast %lt3A_451 : i32 to vector<16xi32>
          %lt3A_453 = arith.cmpi slt, %sub3A_423, %lt3A_452 : vector<16xi32>
          %lt3A_454 = arith.constant 4 : i32
          %lt3A_455 = vector.broadcast %lt3A_454 : i32 to vector<16xi32>
          %lt3A_456 = arith.cmpi slt, %sub3A_423, %lt3A_455 : vector<16xi32>
          %select_n3A_457 = arith.select %lt3A_456, %mul3A_450, %get3A_442 : vector<16xi1>, vector<16xf32>
          %select_n3A_458 = arith.select %lt3A_453, %mul3A_446, %select_n3A_457 : vector<16xi1>, vector<16xf32>
          %mul3A_459 = arith.constant 16 : i32
          %mul3A_460 = arith.muli %scan3A_406, %mul3A_459 : i32
          %swap3A_461 = arith.index_cast %mul3A_460 : i32 to index
          %swap3A_462 = tpu.vector_load %arg7[%swap3A_461] {strides = array<i32>} : memref<21760xf32, #tpu.memory_space<vmem>>, vector<16xf32>,
          %swap3A_463 = vector.shape_cast %swap3A_462 : vector<16xf32> to vector<16xf32>
          %swap3A_464 = vector.shape_cast %select_n3A_458 : vector<16xf32> to vector<16xf32>
          tpu.vector_store %arg7[%swap3A_461], %swap3A_464 {strides = array<i32>} : memref<21760xf32, #tpu.memory_space<vmem>>, vector<16xf32>,
          %scan3A_465 = arith.constant 0 : i32
          %scan3A_466 = arith.constant 7 : i32
          %scan3A_467 = arith.addi %scan3A_46, %scan3A_466 : i32
          %mul3A_468 = arith.constant 16 : i32
          %mul3A_469 = arith.muli %scan3A_467, %mul3A_468 : i32
          %iota3A_470 = tpu.iota {dimensions = array<i32: 0>} : vector<16xi32>
          %add3A_471 = vector.broadcast %mul3A_469 : i32 to vector<16xi32>
          %add3A_472 = arith.addi %add3A_471, %iota3A_470 : vector<16xi32>
          %convert_element_type3A_473 = arith.sitofp %add3A_472 : vector<16xi32> to vector<16xf32>
          %add3A_474 = arith.constant 5.000000e-01 : f32
          %add3A_475 = vector.broadcast %add3A_474 : f32 to vector<16xf32>
          %add3A_476 = arith.addf %convert_element_type3A_473, %add3A_475 : vector<16xf32>
          %mul3A_477 = arith.constant 0.0117647061 : f32
          %mul3A_478 = vector.broadcast %mul3A_477 : f32 to vector<16xf32>
          %mul3A_479 = arith.mulf %add3A_476, %mul3A_478 : vector<16xf32>
          %convert_element_type3A_480 = arith.fptosi %mul3A_479 : vector<16xf32> to vector<16xi32>
          %mul3A_481 = arith.constant 85 : i32
          %mul3A_482 = vector.broadcast %mul3A_481 : i32 to vector<16xi32>
          %mul3A_483 = arith.muli %convert_element_type3A_480, %mul3A_482 : vector<16xi32>
          %sub3A_484 = arith.subi %add3A_472, %mul3A_483 : vector<16xi32>
          %add3A_485 = vector.broadcast %mul3A_37 : i32 to vector<16xi32>
          %add3A_486 = arith.addi %add3A_485, %convert_element_type3A_480 : vector<16xi32>
          %and3A_487 = arith.constant 31 : i32
          %and3A_488 = vector.broadcast %and3A_487 : i32 to vector<16xi32>
          %and3A_489 = arith.andi %add3A_486, %and3A_488 : vector<16xi32>
          %convert_element_type3A_490 = arith.sitofp %and3A_489 : vector<16xi32> to vector<16xf32>
          %shift_right_arithmetic3A_491 = arith.constant 5 : i32
          %shift_right_arithmetic3A_492 = vector.broadcast %shift_right_arithmetic3A_491 : i32 to vector<16xi32>
          %shift_right_arithmetic3A_493 = arith.shrsi %add3A_486, %shift_right_arithmetic3A_492 : vector<16xi32>
          %convert_element_type3A_494 = arith.sitofp %shift_right_arithmetic3A_493 : vector<16xi32> to vector<16xf32>
          %eq3A_495 = arith.constant 0 : i32
          %eq3A_496 = vector.broadcast %eq3A_495 : i32 to vector<16xi32>
          %eq3A_497 = arith.cmpi eq, %sub3A_484, %eq3A_496 : vector<16xi32>
          %select_n3A_498 = arith.select %eq3A_497, %convert_element_type3A_490, %convert_element_type3A_494 : vector<16xi1>, vector<16xf32>
          %mul3A_499 = arith.constant 16 : i32
          %mul3A_500 = arith.muli %scan3A_467, %mul3A_499 : i32
          %get3A_501 = arith.index_cast %mul3A_500 : i32 to index
          %get3A_502 = tpu.vector_load %arg6[%get3A_501] {strides = array<i32>} : memref<21760xf32, #tpu.memory_space<vmem>>, vector<16xf32>,
          %get3A_503 = vector.shape_cast %get3A_502 : vector<16xf32> to vector<16xf32>
          %add3A_504 = arith.addf %get3A_503, %select_n3A_498 : vector<16xf32>
          %mul3A_505 = arith.constant 1.600000e+01 : f32
          %mul3A_506 = vector.broadcast %mul3A_505 : f32 to vector<16xf32>
          %mul3A_507 = arith.mulf %add3A_504, %mul3A_506 : vector<16xf32>
          %exp3A_508 = math.exp %get3A_503 : vector<16xf32>
          %mul3A_509 = arith.constant 1.600000e+01 : f32
          %mul3A_510 = vector.broadcast %mul3A_509 : f32 to vector<16xf32>
          %mul3A_511 = arith.mulf %exp3A_508, %mul3A_510 : vector<16xf32>
          %lt3A_512 = arith.constant 2 : i32
          %lt3A_513 = vector.broadcast %lt3A_512 : i32 to vector<16xi32>
          %lt3A_514 = arith.cmpi slt, %sub3A_484, %lt3A_513 : vector<16xi32>
          %lt3A_515 = arith.constant 4 : i32
          %lt3A_516 = vector.broadcast %lt3A_515 : i32 to vector<16xi32>
          %lt3A_517 = arith.cmpi slt, %sub3A_484, %lt3A_516 : vector<16xi32>
          %select_n3A_518 = arith.select %lt3A_517, %mul3A_511, %get3A_503 : vector<16xi1>, vector<16xf32>
          %select_n3A_519 = arith.select %lt3A_514, %mul3A_507, %select_n3A_518 : vector<16xi1>, vector<16xf32>
          %mul3A_520 = arith.constant 16 : i32
          %mul3A_521 = arith.muli %scan3A_467, %mul3A_520 : i32
          %swap3A_522 = arith.index_cast %mul3A_521 : i32 to index
          %swap3A_523 = tpu.vector_load %arg7[%swap3A_522] {strides = array<i32>} : memref<21760xf32, #tpu.memory_space<vmem>>, vector<16xf32>,
          %swap3A_524 = vector.shape_cast %swap3A_523 : vector<16xf32> to vector<16xf32>
          %swap3A_525 = vector.shape_cast %select_n3A_519 : vector<16xf32> to vector<16xf32>
          tpu.vector_store %arg7[%swap3A_522], %swap3A_525 {strides = array<i32>} : memref<21760xf32, #tpu.memory_space<vmem>>, vector<16xf32>,
          %scan3A_526 = arith.constant 0 : i32
          scf.yield %scan3A_526 : i32
        }
        %scan3A_44 = arith.constant 1360 : i32
        "tpu.region"() ({
          %run_scoped3A = tpu.sem_alloc : memref<!tpu.dma_semaphore, #tpu.memory_space<semaphore_mem>>
          %dma_start3A = tpu.memref_slice %arg5[%add3A_35] : memref<7311360xf32, #tpu.memory_space<hbm>> -> memref<21760xf32, #tpu.memory_space<hbm>>
          %dma_start3A_46 = tpu.memref_slice %arg5[%add3A_35] : memref<7311360xf32, #tpu.memory_space<hbm>> -> memref<21760xf32, #tpu.memory_space<hbm>>
          tpu.enqueue_dma source(%arg7 : memref<21760xf32, #tpu.memory_space<vmem>>) target(%dma_start3A_46 : memref<21760xf32, #tpu.memory_space<hbm>>) target_semaphore(%run_scoped3A : memref<!tpu.dma_semaphore, #tpu.memory_space<semaphore_mem>>)
          %dma_wait3A = tpu.memref_slice %arg5[%add3A_35] : memref<7311360xf32, #tpu.memory_space<hbm>> -> memref<21760xf32, #tpu.memory_space<hbm>>
          %dma_wait3A_47 = tpu.memref_slice %arg5[%add3A_35] : memref<7311360xf32, #tpu.memory_space<hbm>> -> memref<21760xf32, #tpu.memory_space<hbm>>
          tpu.wait_dma2 semaphore(%run_scoped3A : memref<!tpu.dma_semaphore, #tpu.memory_space<semaphore_mem>>) src(%arg7 : memref<21760xf32, #tpu.memory_space<vmem>>) dst(%dma_wait3A_47 : memref<21760xf32, #tpu.memory_space<hbm>>)
          tpu.yield
        }) : () -> ()
        %scan3A_45 = arith.constant 0 : i32
        scf.yield %scan3A_45 : i32
      }
      %scan3A_21 = arith.constant 4 : i32
    } else {
    }
    %ge3A = arith.constant 16 : i32
    %ge3A_11 = arith.cmpi sge, %add3A, %ge3A : i32
    %convert_element_type3A_12 = arith.extui %ge3A_11 : i1 to i32
    %cond3A_13 = arith.constant 0 : i32
    %cond3A_14 = arith.cmpi ne, %convert_element_type3A_12, %cond3A_13 : i32
    scf.if %cond3A_14 {
      %sub3A = arith.constant 16 : i32
      %sub3A_15 = arith.subi %add3A, %sub3A : i32
      %mul3A_16 = arith.constant 21760 : i32
      %mul3A_17 = arith.muli %sub3A_15, %mul3A_16 : i32
      %mul3A_18 = arith.constant 456960 : i32
      %mul3A_19 = arith.muli %sub3A_15, %mul3A_18 : i32
      %add3A_20 = arith.constant 435200 : i32
      %add3A_21 = arith.addi %mul3A_19, %add3A_20 : i32
      "tpu.region"() ({
        %run_scoped3A = tpu.sem_alloc : memref<!tpu.dma_semaphore, #tpu.memory_space<semaphore_mem>>
        %dma_start3A = tpu.memref_slice %arg4[%mul3A_17] : memref<348160xf32, #tpu.memory_space<hbm>> -> memref<21760xf32, #tpu.memory_space<hbm>>
        %dma_start3A_29 = tpu.memref_slice %arg4[%mul3A_17] : memref<348160xf32, #tpu.memory_space<hbm>> -> memref<21760xf32, #tpu.memory_space<hbm>>
        tpu.enqueue_dma source(%dma_start3A_29 : memref<21760xf32, #tpu.memory_space<hbm>>) target(%arg6 : memref<21760xf32, #tpu.memory_space<vmem>>) target_semaphore(%run_scoped3A : memref<!tpu.dma_semaphore, #tpu.memory_space<semaphore_mem>>)
        %dma_wait3A = tpu.memref_slice %arg4[%mul3A_17] : memref<348160xf32, #tpu.memory_space<hbm>> -> memref<21760xf32, #tpu.memory_space<hbm>>
        %dma_wait3A_30 = tpu.memref_slice %arg4[%mul3A_17] : memref<348160xf32, #tpu.memory_space<hbm>> -> memref<21760xf32, #tpu.memory_space<hbm>>
        tpu.wait_dma2 semaphore(%run_scoped3A : memref<!tpu.dma_semaphore, #tpu.memory_space<semaphore_mem>>) src(%dma_wait3A_30 : memref<21760xf32, #tpu.memory_space<hbm>>) dst(%arg6 : memref<21760xf32, #tpu.memory_space<vmem>>)
        tpu.yield
      }) : () -> ()
      %scan3A_22 = arith.constant 0 : i32
      %scan3A_23 = arith.constant 0 : i32
      %scan3A_24 = arith.constant 1360 : i32
      %scan3A_25 = arith.addi %scan3A_23, %scan3A_24 : i32
      %scan3A_26 = arith.constant 8 : i32
      %scan3A_27 = scf.for %scan3A_29 = %scan3A_23 to %scan3A_25 step %scan3A_26 iter_args(%scan3A_30 = %scan3A_22) -> (i32)  : i32 {
        %mul3A_31 = arith.constant 16 : i32
        %mul3A_32 = arith.muli %scan3A_29, %mul3A_31 : i32
        %iota3A = tpu.iota {dimensions = array<i32: 0>} : vector<16xi32>
        %add3A_33 = vector.broadcast %mul3A_32 : i32 to vector<16xi32>
        %add3A_34 = arith.addi %add3A_33, %iota3A : vector<16xi32>
        %convert_element_type3A_35 = arith.sitofp %add3A_34 : vector<16xi32> to vector<16xf32>
        %add3A_36 = arith.constant 5.000000e-01 : f32
        %add3A_37 = vector.broadcast %add3A_36 : f32 to vector<16xf32>
        %add3A_38 = arith.addf %convert_element_type3A_35, %add3A_37 : vector<16xf32>
        %mul3A_39 = arith.constant 0.0117647061 : f32
        %mul3A_40 = vector.broadcast %mul3A_39 : f32 to vector<16xf32>
        %mul3A_41 = arith.mulf %add3A_38, %mul3A_40 : vector<16xf32>
        %convert_element_type3A_42 = arith.fptosi %mul3A_41 : vector<16xf32> to vector<16xi32>
        %mul3A_43 = arith.constant 85 : i32
        %mul3A_44 = vector.broadcast %mul3A_43 : i32 to vector<16xi32>
        %mul3A_45 = arith.muli %convert_element_type3A_42, %mul3A_44 : vector<16xi32>
        %sub3A_46 = arith.subi %add3A_34, %mul3A_45 : vector<16xi32>
        %add3A_47 = arith.constant 0 : i32
        %add3A_48 = vector.broadcast %add3A_47 : i32 to vector<16xi32>
        %add3A_49 = arith.addi %add3A_48, %convert_element_type3A_42 : vector<16xi32>
        %and3A_50 = arith.constant 15 : i32
        %and3A_51 = vector.broadcast %and3A_50 : i32 to vector<16xi32>
        %and3A_52 = arith.andi %add3A_49, %and3A_51 : vector<16xi32>
        %convert_element_type3A_53 = arith.sitofp %and3A_52 : vector<16xi32> to vector<16xf32>
        %shift_right_arithmetic3A_54 = arith.constant 4 : i32
        %shift_right_arithmetic3A_55 = vector.broadcast %shift_right_arithmetic3A_54 : i32 to vector<16xi32>
        %shift_right_arithmetic3A_56 = arith.shrsi %add3A_49, %shift_right_arithmetic3A_55 : vector<16xi32>
        %convert_element_type3A_57 = arith.sitofp %shift_right_arithmetic3A_56 : vector<16xi32> to vector<16xf32>
        %eq3A = arith.constant 0 : i32
        %eq3A_58 = vector.broadcast %eq3A : i32 to vector<16xi32>
        %eq3A_59 = arith.cmpi eq, %sub3A_46, %eq3A_58 : vector<16xi32>
        %select_n3A = arith.select %eq3A_59, %convert_element_type3A_53, %convert_element_type3A_57 : vector<16xi1>, vector<16xf32>
        %mul3A_60 = arith.constant 16 : i32
        %mul3A_61 = arith.muli %scan3A_29, %mul3A_60 : i32
        %get3A = arith.index_cast %mul3A_61 : i32 to index
        %get3A_62 = tpu.vector_load %arg6[%get3A] {strides = array<i32>} : memref<21760xf32, #tpu.memory_space<vmem>>, vector<16xf32>,
        %get3A_63 = vector.shape_cast %get3A_62 : vector<16xf32> to vector<16xf32>
        %add3A_64 = arith.addf %get3A_63, %select_n3A : vector<16xf32>
        %mul3A_65 = arith.constant 3.200000e+01 : f32
        %mul3A_66 = vector.broadcast %mul3A_65 : f32 to vector<16xf32>
        %mul3A_67 = arith.mulf %add3A_64, %mul3A_66 : vector<16xf32>
        %exp3A = math.exp %get3A_63 : vector<16xf32>
        %mul3A_68 = arith.constant 3.200000e+01 : f32
        %mul3A_69 = vector.broadcast %mul3A_68 : f32 to vector<16xf32>
        %mul3A_70 = arith.mulf %exp3A, %mul3A_69 : vector<16xf32>
        %lt3A_71 = arith.constant 2 : i32
        %lt3A_72 = vector.broadcast %lt3A_71 : i32 to vector<16xi32>
        %lt3A_73 = arith.cmpi slt, %sub3A_46, %lt3A_72 : vector<16xi32>
        %lt3A_74 = arith.constant 4 : i32
        %lt3A_75 = vector.broadcast %lt3A_74 : i32 to vector<16xi32>
        %lt3A_76 = arith.cmpi slt, %sub3A_46, %lt3A_75 : vector<16xi32>
        %select_n3A_77 = arith.select %lt3A_76, %mul3A_70, %get3A_63 : vector<16xi1>, vector<16xf32>
        %select_n3A_78 = arith.select %lt3A_73, %mul3A_67, %select_n3A_77 : vector<16xi1>, vector<16xf32>
        %mul3A_79 = arith.constant 16 : i32
        %mul3A_80 = arith.muli %scan3A_29, %mul3A_79 : i32
        %swap3A = arith.index_cast %mul3A_80 : i32 to index
        %swap3A_81 = tpu.vector_load %arg7[%swap3A] {strides = array<i32>} : memref<21760xf32, #tpu.memory_space<vmem>>, vector<16xf32>,
        %swap3A_82 = vector.shape_cast %swap3A_81 : vector<16xf32> to vector<16xf32>
        %swap3A_83 = vector.shape_cast %select_n3A_78 : vector<16xf32> to vector<16xf32>
        tpu.vector_store %arg7[%swap3A], %swap3A_83 {strides = array<i32>} : memref<21760xf32, #tpu.memory_space<vmem>>, vector<16xf32>,
        %scan3A_84 = arith.constant 0 : i32
        %scan3A_85 = arith.constant 1 : i32
        %scan3A_86 = arith.addi %scan3A_29, %scan3A_85 : i32
        %mul3A_87 = arith.constant 16 : i32
        %mul3A_88 = arith.muli %scan3A_86, %mul3A_87 : i32
        %iota3A_89 = tpu.iota {dimensions = array<i32: 0>} : vector<16xi32>
        %add3A_90 = vector.broadcast %mul3A_88 : i32 to vector<16xi32>
        %add3A_91 = arith.addi %add3A_90, %iota3A_89 : vector<16xi32>
        %convert_element_type3A_92 = arith.sitofp %add3A_91 : vector<16xi32> to vector<16xf32>
        %add3A_93 = arith.constant 5.000000e-01 : f32
        %add3A_94 = vector.broadcast %add3A_93 : f32 to vector<16xf32>
        %add3A_95 = arith.addf %convert_element_type3A_92, %add3A_94 : vector<16xf32>
        %mul3A_96 = arith.constant 0.0117647061 : f32
        %mul3A_97 = vector.broadcast %mul3A_96 : f32 to vector<16xf32>
        %mul3A_98 = arith.mulf %add3A_95, %mul3A_97 : vector<16xf32>
        %convert_element_type3A_99 = arith.fptosi %mul3A_98 : vector<16xf32> to vector<16xi32>
        %mul3A_100 = arith.constant 85 : i32
        %mul3A_101 = vector.broadcast %mul3A_100 : i32 to vector<16xi32>
        %mul3A_102 = arith.muli %convert_element_type3A_99, %mul3A_101 : vector<16xi32>
        %sub3A_103 = arith.subi %add3A_91, %mul3A_102 : vector<16xi32>
        %add3A_104 = arith.constant 0 : i32
        %add3A_105 = vector.broadcast %add3A_104 : i32 to vector<16xi32>
        %add3A_106 = arith.addi %add3A_105, %convert_element_type3A_99 : vector<16xi32>
        %and3A_107 = arith.constant 15 : i32
        %and3A_108 = vector.broadcast %and3A_107 : i32 to vector<16xi32>
        %and3A_109 = arith.andi %add3A_106, %and3A_108 : vector<16xi32>
        %convert_element_type3A_110 = arith.sitofp %and3A_109 : vector<16xi32> to vector<16xf32>
        %shift_right_arithmetic3A_111 = arith.constant 4 : i32
        %shift_right_arithmetic3A_112 = vector.broadcast %shift_right_arithmetic3A_111 : i32 to vector<16xi32>
        %shift_right_arithmetic3A_113 = arith.shrsi %add3A_106, %shift_right_arithmetic3A_112 : vector<16xi32>
        %convert_element_type3A_114 = arith.sitofp %shift_right_arithmetic3A_113 : vector<16xi32> to vector<16xf32>
        %eq3A_115 = arith.constant 0 : i32
        %eq3A_116 = vector.broadcast %eq3A_115 : i32 to vector<16xi32>
        %eq3A_117 = arith.cmpi eq, %sub3A_103, %eq3A_116 : vector<16xi32>
        %select_n3A_118 = arith.select %eq3A_117, %convert_element_type3A_110, %convert_element_type3A_114 : vector<16xi1>, vector<16xf32>
        %mul3A_119 = arith.constant 16 : i32
        %mul3A_120 = arith.muli %scan3A_86, %mul3A_119 : i32
        %get3A_121 = arith.index_cast %mul3A_120 : i32 to index
        %get3A_122 = tpu.vector_load %arg6[%get3A_121] {strides = array<i32>} : memref<21760xf32, #tpu.memory_space<vmem>>, vector<16xf32>,
        %get3A_123 = vector.shape_cast %get3A_122 : vector<16xf32> to vector<16xf32>
        %add3A_124 = arith.addf %get3A_123, %select_n3A_118 : vector<16xf32>
        %mul3A_125 = arith.constant 3.200000e+01 : f32
        %mul3A_126 = vector.broadcast %mul3A_125 : f32 to vector<16xf32>
        %mul3A_127 = arith.mulf %add3A_124, %mul3A_126 : vector<16xf32>
        %exp3A_128 = math.exp %get3A_123 : vector<16xf32>
        %mul3A_129 = arith.constant 3.200000e+01 : f32
        %mul3A_130 = vector.broadcast %mul3A_129 : f32 to vector<16xf32>
        %mul3A_131 = arith.mulf %exp3A_128, %mul3A_130 : vector<16xf32>
        %lt3A_132 = arith.constant 2 : i32
        %lt3A_133 = vector.broadcast %lt3A_132 : i32 to vector<16xi32>
        %lt3A_134 = arith.cmpi slt, %sub3A_103, %lt3A_133 : vector<16xi32>
        %lt3A_135 = arith.constant 4 : i32
        %lt3A_136 = vector.broadcast %lt3A_135 : i32 to vector<16xi32>
        %lt3A_137 = arith.cmpi slt, %sub3A_103, %lt3A_136 : vector<16xi32>
        %select_n3A_138 = arith.select %lt3A_137, %mul3A_131, %get3A_123 : vector<16xi1>, vector<16xf32>
        %select_n3A_139 = arith.select %lt3A_134, %mul3A_127, %select_n3A_138 : vector<16xi1>, vector<16xf32>
        %mul3A_140 = arith.constant 16 : i32
        %mul3A_141 = arith.muli %scan3A_86, %mul3A_140 : i32
        %swap3A_142 = arith.index_cast %mul3A_141 : i32 to index
        %swap3A_143 = tpu.vector_load %arg7[%swap3A_142] {strides = array<i32>} : memref<21760xf32, #tpu.memory_space<vmem>>, vector<16xf32>,
        %swap3A_144 = vector.shape_cast %swap3A_143 : vector<16xf32> to vector<16xf32>
        %swap3A_145 = vector.shape_cast %select_n3A_139 : vector<16xf32> to vector<16xf32>
        tpu.vector_store %arg7[%swap3A_142], %swap3A_145 {strides = array<i32>} : memref<21760xf32, #tpu.memory_space<vmem>>, vector<16xf32>,
        %scan3A_146 = arith.constant 0 : i32
        %scan3A_147 = arith.constant 2 : i32
        %scan3A_148 = arith.addi %scan3A_29, %scan3A_147 : i32
        %mul3A_149 = arith.constant 16 : i32
        %mul3A_150 = arith.muli %scan3A_148, %mul3A_149 : i32
        %iota3A_151 = tpu.iota {dimensions = array<i32: 0>} : vector<16xi32>
        %add3A_152 = vector.broadcast %mul3A_150 : i32 to vector<16xi32>
        %add3A_153 = arith.addi %add3A_152, %iota3A_151 : vector<16xi32>
        %convert_element_type3A_154 = arith.sitofp %add3A_153 : vector<16xi32> to vector<16xf32>
        %add3A_155 = arith.constant 5.000000e-01 : f32
        %add3A_156 = vector.broadcast %add3A_155 : f32 to vector<16xf32>
        %add3A_157 = arith.addf %convert_element_type3A_154, %add3A_156 : vector<16xf32>
        %mul3A_158 = arith.constant 0.0117647061 : f32
        %mul3A_159 = vector.broadcast %mul3A_158 : f32 to vector<16xf32>
        %mul3A_160 = arith.mulf %add3A_157, %mul3A_159 : vector<16xf32>
        %convert_element_type3A_161 = arith.fptosi %mul3A_160 : vector<16xf32> to vector<16xi32>
        %mul3A_162 = arith.constant 85 : i32
        %mul3A_163 = vector.broadcast %mul3A_162 : i32 to vector<16xi32>
        %mul3A_164 = arith.muli %convert_element_type3A_161, %mul3A_163 : vector<16xi32>
        %sub3A_165 = arith.subi %add3A_153, %mul3A_164 : vector<16xi32>
        %add3A_166 = arith.constant 0 : i32
        %add3A_167 = vector.broadcast %add3A_166 : i32 to vector<16xi32>
        %add3A_168 = arith.addi %add3A_167, %convert_element_type3A_161 : vector<16xi32>
        %and3A_169 = arith.constant 15 : i32
        %and3A_170 = vector.broadcast %and3A_169 : i32 to vector<16xi32>
        %and3A_171 = arith.andi %add3A_168, %and3A_170 : vector<16xi32>
        %convert_element_type3A_172 = arith.sitofp %and3A_171 : vector<16xi32> to vector<16xf32>
        %shift_right_arithmetic3A_173 = arith.constant 4 : i32
        %shift_right_arithmetic3A_174 = vector.broadcast %shift_right_arithmetic3A_173 : i32 to vector<16xi32>
        %shift_right_arithmetic3A_175 = arith.shrsi %add3A_168, %shift_right_arithmetic3A_174 : vector<16xi32>
        %convert_element_type3A_176 = arith.sitofp %shift_right_arithmetic3A_175 : vector<16xi32> to vector<16xf32>
        %eq3A_177 = arith.constant 0 : i32
        %eq3A_178 = vector.broadcast %eq3A_177 : i32 to vector<16xi32>
        %eq3A_179 = arith.cmpi eq, %sub3A_165, %eq3A_178 : vector<16xi32>
        %select_n3A_180 = arith.select %eq3A_179, %convert_element_type3A_172, %convert_element_type3A_176 : vector<16xi1>, vector<16xf32>
        %mul3A_181 = arith.constant 16 : i32
        %mul3A_182 = arith.muli %scan3A_148, %mul3A_181 : i32
        %get3A_183 = arith.index_cast %mul3A_182 : i32 to index
        %get3A_184 = tpu.vector_load %arg6[%get3A_183] {strides = array<i32>} : memref<21760xf32, #tpu.memory_space<vmem>>, vector<16xf32>,
        %get3A_185 = vector.shape_cast %get3A_184 : vector<16xf32> to vector<16xf32>
        %add3A_186 = arith.addf %get3A_185, %select_n3A_180 : vector<16xf32>
        %mul3A_187 = arith.constant 3.200000e+01 : f32
        %mul3A_188 = vector.broadcast %mul3A_187 : f32 to vector<16xf32>
        %mul3A_189 = arith.mulf %add3A_186, %mul3A_188 : vector<16xf32>
        %exp3A_190 = math.exp %get3A_185 : vector<16xf32>
        %mul3A_191 = arith.constant 3.200000e+01 : f32
        %mul3A_192 = vector.broadcast %mul3A_191 : f32 to vector<16xf32>
        %mul3A_193 = arith.mulf %exp3A_190, %mul3A_192 : vector<16xf32>
        %lt3A_194 = arith.constant 2 : i32
        %lt3A_195 = vector.broadcast %lt3A_194 : i32 to vector<16xi32>
        %lt3A_196 = arith.cmpi slt, %sub3A_165, %lt3A_195 : vector<16xi32>
        %lt3A_197 = arith.constant 4 : i32
        %lt3A_198 = vector.broadcast %lt3A_197 : i32 to vector<16xi32>
        %lt3A_199 = arith.cmpi slt, %sub3A_165, %lt3A_198 : vector<16xi32>
        %select_n3A_200 = arith.select %lt3A_199, %mul3A_193, %get3A_185 : vector<16xi1>, vector<16xf32>
        %select_n3A_201 = arith.select %lt3A_196, %mul3A_189, %select_n3A_200 : vector<16xi1>, vector<16xf32>
        %mul3A_202 = arith.constant 16 : i32
        %mul3A_203 = arith.muli %scan3A_148, %mul3A_202 : i32
        %swap3A_204 = arith.index_cast %mul3A_203 : i32 to index
        %swap3A_205 = tpu.vector_load %arg7[%swap3A_204] {strides = array<i32>} : memref<21760xf32, #tpu.memory_space<vmem>>, vector<16xf32>,
        %swap3A_206 = vector.shape_cast %swap3A_205 : vector<16xf32> to vector<16xf32>
        %swap3A_207 = vector.shape_cast %select_n3A_201 : vector<16xf32> to vector<16xf32>
        tpu.vector_store %arg7[%swap3A_204], %swap3A_207 {strides = array<i32>} : memref<21760xf32, #tpu.memory_space<vmem>>, vector<16xf32>,
        %scan3A_208 = arith.constant 0 : i32
        %scan3A_209 = arith.constant 3 : i32
        %scan3A_210 = arith.addi %scan3A_29, %scan3A_209 : i32
        %mul3A_211 = arith.constant 16 : i32
        %mul3A_212 = arith.muli %scan3A_210, %mul3A_211 : i32
        %iota3A_213 = tpu.iota {dimensions = array<i32: 0>} : vector<16xi32>
        %add3A_214 = vector.broadcast %mul3A_212 : i32 to vector<16xi32>
        %add3A_215 = arith.addi %add3A_214, %iota3A_213 : vector<16xi32>
        %convert_element_type3A_216 = arith.sitofp %add3A_215 : vector<16xi32> to vector<16xf32>
        %add3A_217 = arith.constant 5.000000e-01 : f32
        %add3A_218 = vector.broadcast %add3A_217 : f32 to vector<16xf32>
        %add3A_219 = arith.addf %convert_element_type3A_216, %add3A_218 : vector<16xf32>
        %mul3A_220 = arith.constant 0.0117647061 : f32
        %mul3A_221 = vector.broadcast %mul3A_220 : f32 to vector<16xf32>
        %mul3A_222 = arith.mulf %add3A_219, %mul3A_221 : vector<16xf32>
        %convert_element_type3A_223 = arith.fptosi %mul3A_222 : vector<16xf32> to vector<16xi32>
        %mul3A_224 = arith.constant 85 : i32
        %mul3A_225 = vector.broadcast %mul3A_224 : i32 to vector<16xi32>
        %mul3A_226 = arith.muli %convert_element_type3A_223, %mul3A_225 : vector<16xi32>
        %sub3A_227 = arith.subi %add3A_215, %mul3A_226 : vector<16xi32>
        %add3A_228 = arith.constant 0 : i32
        %add3A_229 = vector.broadcast %add3A_228 : i32 to vector<16xi32>
        %add3A_230 = arith.addi %add3A_229, %convert_element_type3A_223 : vector<16xi32>
        %and3A_231 = arith.constant 15 : i32
        %and3A_232 = vector.broadcast %and3A_231 : i32 to vector<16xi32>
        %and3A_233 = arith.andi %add3A_230, %and3A_232 : vector<16xi32>
        %convert_element_type3A_234 = arith.sitofp %and3A_233 : vector<16xi32> to vector<16xf32>
        %shift_right_arithmetic3A_235 = arith.constant 4 : i32
        %shift_right_arithmetic3A_236 = vector.broadcast %shift_right_arithmetic3A_235 : i32 to vector<16xi32>
        %shift_right_arithmetic3A_237 = arith.shrsi %add3A_230, %shift_right_arithmetic3A_236 : vector<16xi32>
        %convert_element_type3A_238 = arith.sitofp %shift_right_arithmetic3A_237 : vector<16xi32> to vector<16xf32>
        %eq3A_239 = arith.constant 0 : i32
        %eq3A_240 = vector.broadcast %eq3A_239 : i32 to vector<16xi32>
        %eq3A_241 = arith.cmpi eq, %sub3A_227, %eq3A_240 : vector<16xi32>
        %select_n3A_242 = arith.select %eq3A_241, %convert_element_type3A_234, %convert_element_type3A_238 : vector<16xi1>, vector<16xf32>
        %mul3A_243 = arith.constant 16 : i32
        %mul3A_244 = arith.muli %scan3A_210, %mul3A_243 : i32
        %get3A_245 = arith.index_cast %mul3A_244 : i32 to index
        %get3A_246 = tpu.vector_load %arg6[%get3A_245] {strides = array<i32>} : memref<21760xf32, #tpu.memory_space<vmem>>, vector<16xf32>,
        %get3A_247 = vector.shape_cast %get3A_246 : vector<16xf32> to vector<16xf32>
        %add3A_248 = arith.addf %get3A_247, %select_n3A_242 : vector<16xf32>
        %mul3A_249 = arith.constant 3.200000e+01 : f32
        %mul3A_250 = vector.broadcast %mul3A_249 : f32 to vector<16xf32>
        %mul3A_251 = arith.mulf %add3A_248, %mul3A_250 : vector<16xf32>
        %exp3A_252 = math.exp %get3A_247 : vector<16xf32>
        %mul3A_253 = arith.constant 3.200000e+01 : f32
        %mul3A_254 = vector.broadcast %mul3A_253 : f32 to vector<16xf32>
        %mul3A_255 = arith.mulf %exp3A_252, %mul3A_254 : vector<16xf32>
        %lt3A_256 = arith.constant 2 : i32
        %lt3A_257 = vector.broadcast %lt3A_256 : i32 to vector<16xi32>
        %lt3A_258 = arith.cmpi slt, %sub3A_227, %lt3A_257 : vector<16xi32>
        %lt3A_259 = arith.constant 4 : i32
        %lt3A_260 = vector.broadcast %lt3A_259 : i32 to vector<16xi32>
        %lt3A_261 = arith.cmpi slt, %sub3A_227, %lt3A_260 : vector<16xi32>
        %select_n3A_262 = arith.select %lt3A_261, %mul3A_255, %get3A_247 : vector<16xi1>, vector<16xf32>
        %select_n3A_263 = arith.select %lt3A_258, %mul3A_251, %select_n3A_262 : vector<16xi1>, vector<16xf32>
        %mul3A_264 = arith.constant 16 : i32
        %mul3A_265 = arith.muli %scan3A_210, %mul3A_264 : i32
        %swap3A_266 = arith.index_cast %mul3A_265 : i32 to index
        %swap3A_267 = tpu.vector_load %arg7[%swap3A_266] {strides = array<i32>} : memref<21760xf32, #tpu.memory_space<vmem>>, vector<16xf32>,
        %swap3A_268 = vector.shape_cast %swap3A_267 : vector<16xf32> to vector<16xf32>
        %swap3A_269 = vector.shape_cast %select_n3A_263 : vector<16xf32> to vector<16xf32>
        tpu.vector_store %arg7[%swap3A_266], %swap3A_269 {strides = array<i32>} : memref<21760xf32, #tpu.memory_space<vmem>>, vector<16xf32>,
        %scan3A_270 = arith.constant 0 : i32
        %scan3A_271 = arith.constant 4 : i32
        %scan3A_272 = arith.addi %scan3A_29, %scan3A_271 : i32
        %mul3A_273 = arith.constant 16 : i32
        %mul3A_274 = arith.muli %scan3A_272, %mul3A_273 : i32
        %iota3A_275 = tpu.iota {dimensions = array<i32: 0>} : vector<16xi32>
        %add3A_276 = vector.broadcast %mul3A_274 : i32 to vector<16xi32>
        %add3A_277 = arith.addi %add3A_276, %iota3A_275 : vector<16xi32>
        %convert_element_type3A_278 = arith.sitofp %add3A_277 : vector<16xi32> to vector<16xf32>
        %add3A_279 = arith.constant 5.000000e-01 : f32
        %add3A_280 = vector.broadcast %add3A_279 : f32 to vector<16xf32>
        %add3A_281 = arith.addf %convert_element_type3A_278, %add3A_280 : vector<16xf32>
        %mul3A_282 = arith.constant 0.0117647061 : f32
        %mul3A_283 = vector.broadcast %mul3A_282 : f32 to vector<16xf32>
        %mul3A_284 = arith.mulf %add3A_281, %mul3A_283 : vector<16xf32>
        %convert_element_type3A_285 = arith.fptosi %mul3A_284 : vector<16xf32> to vector<16xi32>
        %mul3A_286 = arith.constant 85 : i32
        %mul3A_287 = vector.broadcast %mul3A_286 : i32 to vector<16xi32>
        %mul3A_288 = arith.muli %convert_element_type3A_285, %mul3A_287 : vector<16xi32>
        %sub3A_289 = arith.subi %add3A_277, %mul3A_288 : vector<16xi32>
        %add3A_290 = arith.constant 0 : i32
        %add3A_291 = vector.broadcast %add3A_290 : i32 to vector<16xi32>
        %add3A_292 = arith.addi %add3A_291, %convert_element_type3A_285 : vector<16xi32>
        %and3A_293 = arith.constant 15 : i32
        %and3A_294 = vector.broadcast %and3A_293 : i32 to vector<16xi32>
        %and3A_295 = arith.andi %add3A_292, %and3A_294 : vector<16xi32>
        %convert_element_type3A_296 = arith.sitofp %and3A_295 : vector<16xi32> to vector<16xf32>
        %shift_right_arithmetic3A_297 = arith.constant 4 : i32
        %shift_right_arithmetic3A_298 = vector.broadcast %shift_right_arithmetic3A_297 : i32 to vector<16xi32>
        %shift_right_arithmetic3A_299 = arith.shrsi %add3A_292, %shift_right_arithmetic3A_298 : vector<16xi32>
        %convert_element_type3A_300 = arith.sitofp %shift_right_arithmetic3A_299 : vector<16xi32> to vector<16xf32>
        %eq3A_301 = arith.constant 0 : i32
        %eq3A_302 = vector.broadcast %eq3A_301 : i32 to vector<16xi32>
        %eq3A_303 = arith.cmpi eq, %sub3A_289, %eq3A_302 : vector<16xi32>
        %select_n3A_304 = arith.select %eq3A_303, %convert_element_type3A_296, %convert_element_type3A_300 : vector<16xi1>, vector<16xf32>
        %mul3A_305 = arith.constant 16 : i32
        %mul3A_306 = arith.muli %scan3A_272, %mul3A_305 : i32
        %get3A_307 = arith.index_cast %mul3A_306 : i32 to index
        %get3A_308 = tpu.vector_load %arg6[%get3A_307] {strides = array<i32>} : memref<21760xf32, #tpu.memory_space<vmem>>, vector<16xf32>,
        %get3A_309 = vector.shape_cast %get3A_308 : vector<16xf32> to vector<16xf32>
        %add3A_310 = arith.addf %get3A_309, %select_n3A_304 : vector<16xf32>
        %mul3A_311 = arith.constant 3.200000e+01 : f32
        %mul3A_312 = vector.broadcast %mul3A_311 : f32 to vector<16xf32>
        %mul3A_313 = arith.mulf %add3A_310, %mul3A_312 : vector<16xf32>
        %exp3A_314 = math.exp %get3A_309 : vector<16xf32>
        %mul3A_315 = arith.constant 3.200000e+01 : f32
        %mul3A_316 = vector.broadcast %mul3A_315 : f32 to vector<16xf32>
        %mul3A_317 = arith.mulf %exp3A_314, %mul3A_316 : vector<16xf32>
        %lt3A_318 = arith.constant 2 : i32
        %lt3A_319 = vector.broadcast %lt3A_318 : i32 to vector<16xi32>
        %lt3A_320 = arith.cmpi slt, %sub3A_289, %lt3A_319 : vector<16xi32>
        %lt3A_321 = arith.constant 4 : i32
        %lt3A_322 = vector.broadcast %lt3A_321 : i32 to vector<16xi32>
        %lt3A_323 = arith.cmpi slt, %sub3A_289, %lt3A_322 : vector<16xi32>
        %select_n3A_324 = arith.select %lt3A_323, %mul3A_317, %get3A_309 : vector<16xi1>, vector<16xf32>
        %select_n3A_325 = arith.select %lt3A_320, %mul3A_313, %select_n3A_324 : vector<16xi1>, vector<16xf32>
        %mul3A_326 = arith.constant 16 : i32
        %mul3A_327 = arith.muli %scan3A_272, %mul3A_326 : i32
        %swap3A_328 = arith.index_cast %mul3A_327 : i32 to index
        %swap3A_329 = tpu.vector_load %arg7[%swap3A_328] {strides = array<i32>} : memref<21760xf32, #tpu.memory_space<vmem>>, vector<16xf32>,
        %swap3A_330 = vector.shape_cast %swap3A_329 : vector<16xf32> to vector<16xf32>
        %swap3A_331 = vector.shape_cast %select_n3A_325 : vector<16xf32> to vector<16xf32>
        tpu.vector_store %arg7[%swap3A_328], %swap3A_331 {strides = array<i32>} : memref<21760xf32, #tpu.memory_space<vmem>>, vector<16xf32>,
        %scan3A_332 = arith.constant 0 : i32
        %scan3A_333 = arith.constant 5 : i32
        %scan3A_334 = arith.addi %scan3A_29, %scan3A_333 : i32
        %mul3A_335 = arith.constant 16 : i32
        %mul3A_336 = arith.muli %scan3A_334, %mul3A_335 : i32
        %iota3A_337 = tpu.iota {dimensions = array<i32: 0>} : vector<16xi32>
        %add3A_338 = vector.broadcast %mul3A_336 : i32 to vector<16xi32>
        %add3A_339 = arith.addi %add3A_338, %iota3A_337 : vector<16xi32>
        %convert_element_type3A_340 = arith.sitofp %add3A_339 : vector<16xi32> to vector<16xf32>
        %add3A_341 = arith.constant 5.000000e-01 : f32
        %add3A_342 = vector.broadcast %add3A_341 : f32 to vector<16xf32>
        %add3A_343 = arith.addf %convert_element_type3A_340, %add3A_342 : vector<16xf32>
        %mul3A_344 = arith.constant 0.0117647061 : f32
        %mul3A_345 = vector.broadcast %mul3A_344 : f32 to vector<16xf32>
        %mul3A_346 = arith.mulf %add3A_343, %mul3A_345 : vector<16xf32>
        %convert_element_type3A_347 = arith.fptosi %mul3A_346 : vector<16xf32> to vector<16xi32>
        %mul3A_348 = arith.constant 85 : i32
        %mul3A_349 = vector.broadcast %mul3A_348 : i32 to vector<16xi32>
        %mul3A_350 = arith.muli %convert_element_type3A_347, %mul3A_349 : vector<16xi32>
        %sub3A_351 = arith.subi %add3A_339, %mul3A_350 : vector<16xi32>
        %add3A_352 = arith.constant 0 : i32
        %add3A_353 = vector.broadcast %add3A_352 : i32 to vector<16xi32>
        %add3A_354 = arith.addi %add3A_353, %convert_element_type3A_347 : vector<16xi32>
        %and3A_355 = arith.constant 15 : i32
        %and3A_356 = vector.broadcast %and3A_355 : i32 to vector<16xi32>
        %and3A_357 = arith.andi %add3A_354, %and3A_356 : vector<16xi32>
        %convert_element_type3A_358 = arith.sitofp %and3A_357 : vector<16xi32> to vector<16xf32>
        %shift_right_arithmetic3A_359 = arith.constant 4 : i32
        %shift_right_arithmetic3A_360 = vector.broadcast %shift_right_arithmetic3A_359 : i32 to vector<16xi32>
        %shift_right_arithmetic3A_361 = arith.shrsi %add3A_354, %shift_right_arithmetic3A_360 : vector<16xi32>
        %convert_element_type3A_362 = arith.sitofp %shift_right_arithmetic3A_361 : vector<16xi32> to vector<16xf32>
        %eq3A_363 = arith.constant 0 : i32
        %eq3A_364 = vector.broadcast %eq3A_363 : i32 to vector<16xi32>
        %eq3A_365 = arith.cmpi eq, %sub3A_351, %eq3A_364 : vector<16xi32>
        %select_n3A_366 = arith.select %eq3A_365, %convert_element_type3A_358, %convert_element_type3A_362 : vector<16xi1>, vector<16xf32>
        %mul3A_367 = arith.constant 16 : i32
        %mul3A_368 = arith.muli %scan3A_334, %mul3A_367 : i32
        %get3A_369 = arith.index_cast %mul3A_368 : i32 to index
        %get3A_370 = tpu.vector_load %arg6[%get3A_369] {strides = array<i32>} : memref<21760xf32, #tpu.memory_space<vmem>>, vector<16xf32>,
        %get3A_371 = vector.shape_cast %get3A_370 : vector<16xf32> to vector<16xf32>
        %add3A_372 = arith.addf %get3A_371, %select_n3A_366 : vector<16xf32>
        %mul3A_373 = arith.constant 3.200000e+01 : f32
        %mul3A_374 = vector.broadcast %mul3A_373 : f32 to vector<16xf32>
        %mul3A_375 = arith.mulf %add3A_372, %mul3A_374 : vector<16xf32>
        %exp3A_376 = math.exp %get3A_371 : vector<16xf32>
        %mul3A_377 = arith.constant 3.200000e+01 : f32
        %mul3A_378 = vector.broadcast %mul3A_377 : f32 to vector<16xf32>
        %mul3A_379 = arith.mulf %exp3A_376, %mul3A_378 : vector<16xf32>
        %lt3A_380 = arith.constant 2 : i32
        %lt3A_381 = vector.broadcast %lt3A_380 : i32 to vector<16xi32>
        %lt3A_382 = arith.cmpi slt, %sub3A_351, %lt3A_381 : vector<16xi32>
        %lt3A_383 = arith.constant 4 : i32
        %lt3A_384 = vector.broadcast %lt3A_383 : i32 to vector<16xi32>
        %lt3A_385 = arith.cmpi slt, %sub3A_351, %lt3A_384 : vector<16xi32>
        %select_n3A_386 = arith.select %lt3A_385, %mul3A_379, %get3A_371 : vector<16xi1>, vector<16xf32>
        %select_n3A_387 = arith.select %lt3A_382, %mul3A_375, %select_n3A_386 : vector<16xi1>, vector<16xf32>
        %mul3A_388 = arith.constant 16 : i32
        %mul3A_389 = arith.muli %scan3A_334, %mul3A_388 : i32
        %swap3A_390 = arith.index_cast %mul3A_389 : i32 to index
        %swap3A_391 = tpu.vector_load %arg7[%swap3A_390] {strides = array<i32>} : memref<21760xf32, #tpu.memory_space<vmem>>, vector<16xf32>,
        %swap3A_392 = vector.shape_cast %swap3A_391 : vector<16xf32> to vector<16xf32>
        %swap3A_393 = vector.shape_cast %select_n3A_387 : vector<16xf32> to vector<16xf32>
        tpu.vector_store %arg7[%swap3A_390], %swap3A_393 {strides = array<i32>} : memref<21760xf32, #tpu.memory_space<vmem>>, vector<16xf32>,
        %scan3A_394 = arith.constant 0 : i32
        %scan3A_395 = arith.constant 6 : i32
        %scan3A_396 = arith.addi %scan3A_29, %scan3A_395 : i32
        %mul3A_397 = arith.constant 16 : i32
        %mul3A_398 = arith.muli %scan3A_396, %mul3A_397 : i32
        %iota3A_399 = tpu.iota {dimensions = array<i32: 0>} : vector<16xi32>
        %add3A_400 = vector.broadcast %mul3A_398 : i32 to vector<16xi32>
        %add3A_401 = arith.addi %add3A_400, %iota3A_399 : vector<16xi32>
        %convert_element_type3A_402 = arith.sitofp %add3A_401 : vector<16xi32> to vector<16xf32>
        %add3A_403 = arith.constant 5.000000e-01 : f32
        %add3A_404 = vector.broadcast %add3A_403 : f32 to vector<16xf32>
        %add3A_405 = arith.addf %convert_element_type3A_402, %add3A_404 : vector<16xf32>
        %mul3A_406 = arith.constant 0.0117647061 : f32
        %mul3A_407 = vector.broadcast %mul3A_406 : f32 to vector<16xf32>
        %mul3A_408 = arith.mulf %add3A_405, %mul3A_407 : vector<16xf32>
        %convert_element_type3A_409 = arith.fptosi %mul3A_408 : vector<16xf32> to vector<16xi32>
        %mul3A_410 = arith.constant 85 : i32
        %mul3A_411 = vector.broadcast %mul3A_410 : i32 to vector<16xi32>
        %mul3A_412 = arith.muli %convert_element_type3A_409, %mul3A_411 : vector<16xi32>
        %sub3A_413 = arith.subi %add3A_401, %mul3A_412 : vector<16xi32>
        %add3A_414 = arith.constant 0 : i32
        %add3A_415 = vector.broadcast %add3A_414 : i32 to vector<16xi32>
        %add3A_416 = arith.addi %add3A_415, %convert_element_type3A_409 : vector<16xi32>
        %and3A_417 = arith.constant 15 : i32
        %and3A_418 = vector.broadcast %and3A_417 : i32 to vector<16xi32>
        %and3A_419 = arith.andi %add3A_416, %and3A_418 : vector<16xi32>
        %convert_element_type3A_420 = arith.sitofp %and3A_419 : vector<16xi32> to vector<16xf32>
        %shift_right_arithmetic3A_421 = arith.constant 4 : i32
        %shift_right_arithmetic3A_422 = vector.broadcast %shift_right_arithmetic3A_421 : i32 to vector<16xi32>
        %shift_right_arithmetic3A_423 = arith.shrsi %add3A_416, %shift_right_arithmetic3A_422 : vector<16xi32>
        %convert_element_type3A_424 = arith.sitofp %shift_right_arithmetic3A_423 : vector<16xi32> to vector<16xf32>
        %eq3A_425 = arith.constant 0 : i32
        %eq3A_426 = vector.broadcast %eq3A_425 : i32 to vector<16xi32>
        %eq3A_427 = arith.cmpi eq, %sub3A_413, %eq3A_426 : vector<16xi32>
        %select_n3A_428 = arith.select %eq3A_427, %convert_element_type3A_420, %convert_element_type3A_424 : vector<16xi1>, vector<16xf32>
        %mul3A_429 = arith.constant 16 : i32
        %mul3A_430 = arith.muli %scan3A_396, %mul3A_429 : i32
        %get3A_431 = arith.index_cast %mul3A_430 : i32 to index
        %get3A_432 = tpu.vector_load %arg6[%get3A_431] {strides = array<i32>} : memref<21760xf32, #tpu.memory_space<vmem>>, vector<16xf32>,
        %get3A_433 = vector.shape_cast %get3A_432 : vector<16xf32> to vector<16xf32>
        %add3A_434 = arith.addf %get3A_433, %select_n3A_428 : vector<16xf32>
        %mul3A_435 = arith.constant 3.200000e+01 : f32
        %mul3A_436 = vector.broadcast %mul3A_435 : f32 to vector<16xf32>
        %mul3A_437 = arith.mulf %add3A_434, %mul3A_436 : vector<16xf32>
        %exp3A_438 = math.exp %get3A_433 : vector<16xf32>
        %mul3A_439 = arith.constant 3.200000e+01 : f32
        %mul3A_440 = vector.broadcast %mul3A_439 : f32 to vector<16xf32>
        %mul3A_441 = arith.mulf %exp3A_438, %mul3A_440 : vector<16xf32>
        %lt3A_442 = arith.constant 2 : i32
        %lt3A_443 = vector.broadcast %lt3A_442 : i32 to vector<16xi32>
        %lt3A_444 = arith.cmpi slt, %sub3A_413, %lt3A_443 : vector<16xi32>
        %lt3A_445 = arith.constant 4 : i32
        %lt3A_446 = vector.broadcast %lt3A_445 : i32 to vector<16xi32>
        %lt3A_447 = arith.cmpi slt, %sub3A_413, %lt3A_446 : vector<16xi32>
        %select_n3A_448 = arith.select %lt3A_447, %mul3A_441, %get3A_433 : vector<16xi1>, vector<16xf32>
        %select_n3A_449 = arith.select %lt3A_444, %mul3A_437, %select_n3A_448 : vector<16xi1>, vector<16xf32>
        %mul3A_450 = arith.constant 16 : i32
        %mul3A_451 = arith.muli %scan3A_396, %mul3A_450 : i32
        %swap3A_452 = arith.index_cast %mul3A_451 : i32 to index
        %swap3A_453 = tpu.vector_load %arg7[%swap3A_452] {strides = array<i32>} : memref<21760xf32, #tpu.memory_space<vmem>>, vector<16xf32>,
        %swap3A_454 = vector.shape_cast %swap3A_453 : vector<16xf32> to vector<16xf32>
        %swap3A_455 = vector.shape_cast %select_n3A_449 : vector<16xf32> to vector<16xf32>
        tpu.vector_store %arg7[%swap3A_452], %swap3A_455 {strides = array<i32>} : memref<21760xf32, #tpu.memory_space<vmem>>, vector<16xf32>,
        %scan3A_456 = arith.constant 0 : i32
        %scan3A_457 = arith.constant 7 : i32
        %scan3A_458 = arith.addi %scan3A_29, %scan3A_457 : i32
        %mul3A_459 = arith.constant 16 : i32
        %mul3A_460 = arith.muli %scan3A_458, %mul3A_459 : i32
        %iota3A_461 = tpu.iota {dimensions = array<i32: 0>} : vector<16xi32>
        %add3A_462 = vector.broadcast %mul3A_460 : i32 to vector<16xi32>
        %add3A_463 = arith.addi %add3A_462, %iota3A_461 : vector<16xi32>
        %convert_element_type3A_464 = arith.sitofp %add3A_463 : vector<16xi32> to vector<16xf32>
        %add3A_465 = arith.constant 5.000000e-01 : f32
        %add3A_466 = vector.broadcast %add3A_465 : f32 to vector<16xf32>
        %add3A_467 = arith.addf %convert_element_type3A_464, %add3A_466 : vector<16xf32>
        %mul3A_468 = arith.constant 0.0117647061 : f32
        %mul3A_469 = vector.broadcast %mul3A_468 : f32 to vector<16xf32>
        %mul3A_470 = arith.mulf %add3A_467, %mul3A_469 : vector<16xf32>
        %convert_element_type3A_471 = arith.fptosi %mul3A_470 : vector<16xf32> to vector<16xi32>
        %mul3A_472 = arith.constant 85 : i32
        %mul3A_473 = vector.broadcast %mul3A_472 : i32 to vector<16xi32>
        %mul3A_474 = arith.muli %convert_element_type3A_471, %mul3A_473 : vector<16xi32>
        %sub3A_475 = arith.subi %add3A_463, %mul3A_474 : vector<16xi32>
        %add3A_476 = arith.constant 0 : i32
        %add3A_477 = vector.broadcast %add3A_476 : i32 to vector<16xi32>
        %add3A_478 = arith.addi %add3A_477, %convert_element_type3A_471 : vector<16xi32>
        %and3A_479 = arith.constant 15 : i32
        %and3A_480 = vector.broadcast %and3A_479 : i32 to vector<16xi32>
        %and3A_481 = arith.andi %add3A_478, %and3A_480 : vector<16xi32>
        %convert_element_type3A_482 = arith.sitofp %and3A_481 : vector<16xi32> to vector<16xf32>
        %shift_right_arithmetic3A_483 = arith.constant 4 : i32
        %shift_right_arithmetic3A_484 = vector.broadcast %shift_right_arithmetic3A_483 : i32 to vector<16xi32>
        %shift_right_arithmetic3A_485 = arith.shrsi %add3A_478, %shift_right_arithmetic3A_484 : vector<16xi32>
        %convert_element_type3A_486 = arith.sitofp %shift_right_arithmetic3A_485 : vector<16xi32> to vector<16xf32>
        %eq3A_487 = arith.constant 0 : i32
        %eq3A_488 = vector.broadcast %eq3A_487 : i32 to vector<16xi32>
        %eq3A_489 = arith.cmpi eq, %sub3A_475, %eq3A_488 : vector<16xi32>
        %select_n3A_490 = arith.select %eq3A_489, %convert_element_type3A_482, %convert_element_type3A_486 : vector<16xi1>, vector<16xf32>
        %mul3A_491 = arith.constant 16 : i32
        %mul3A_492 = arith.muli %scan3A_458, %mul3A_491 : i32
        %get3A_493 = arith.index_cast %mul3A_492 : i32 to index
        %get3A_494 = tpu.vector_load %arg6[%get3A_493] {strides = array<i32>} : memref<21760xf32, #tpu.memory_space<vmem>>, vector<16xf32>,
        %get3A_495 = vector.shape_cast %get3A_494 : vector<16xf32> to vector<16xf32>
        %add3A_496 = arith.addf %get3A_495, %select_n3A_490 : vector<16xf32>
        %mul3A_497 = arith.constant 3.200000e+01 : f32
        %mul3A_498 = vector.broadcast %mul3A_497 : f32 to vector<16xf32>
        %mul3A_499 = arith.mulf %add3A_496, %mul3A_498 : vector<16xf32>
        %exp3A_500 = math.exp %get3A_495 : vector<16xf32>
        %mul3A_501 = arith.constant 3.200000e+01 : f32
        %mul3A_502 = vector.broadcast %mul3A_501 : f32 to vector<16xf32>
        %mul3A_503 = arith.mulf %exp3A_500, %mul3A_502 : vector<16xf32>
        %lt3A_504 = arith.constant 2 : i32
        %lt3A_505 = vector.broadcast %lt3A_504 : i32 to vector<16xi32>
        %lt3A_506 = arith.cmpi slt, %sub3A_475, %lt3A_505 : vector<16xi32>
        %lt3A_507 = arith.constant 4 : i32
        %lt3A_508 = vector.broadcast %lt3A_507 : i32 to vector<16xi32>
        %lt3A_509 = arith.cmpi slt, %sub3A_475, %lt3A_508 : vector<16xi32>
        %select_n3A_510 = arith.select %lt3A_509, %mul3A_503, %get3A_495 : vector<16xi1>, vector<16xf32>
        %select_n3A_511 = arith.select %lt3A_506, %mul3A_499, %select_n3A_510 : vector<16xi1>, vector<16xf32>
        %mul3A_512 = arith.constant 16 : i32
        %mul3A_513 = arith.muli %scan3A_458, %mul3A_512 : i32
        %swap3A_514 = arith.index_cast %mul3A_513 : i32 to index
        %swap3A_515 = tpu.vector_load %arg7[%swap3A_514] {strides = array<i32>} : memref<21760xf32, #tpu.memory_space<vmem>>, vector<16xf32>,
        %swap3A_516 = vector.shape_cast %swap3A_515 : vector<16xf32> to vector<16xf32>
        %swap3A_517 = vector.shape_cast %select_n3A_511 : vector<16xf32> to vector<16xf32>
        tpu.vector_store %arg7[%swap3A_514], %swap3A_517 {strides = array<i32>} : memref<21760xf32, #tpu.memory_space<vmem>>, vector<16xf32>,
        %scan3A_518 = arith.constant 0 : i32
        scf.yield %scan3A_518 : i32
      }
      %scan3A_28 = arith.constant 1360 : i32
      "tpu.region"() ({
        %run_scoped3A = tpu.sem_alloc : memref<!tpu.dma_semaphore, #tpu.memory_space<semaphore_mem>>
        %dma_start3A = tpu.memref_slice %arg5[%add3A_21] : memref<7311360xf32, #tpu.memory_space<hbm>> -> memref<21760xf32, #tpu.memory_space<hbm>>
        %dma_start3A_29 = tpu.memref_slice %arg5[%add3A_21] : memref<7311360xf32, #tpu.memory_space<hbm>> -> memref<21760xf32, #tpu.memory_space<hbm>>
        tpu.enqueue_dma source(%arg7 : memref<21760xf32, #tpu.memory_space<vmem>>) target(%dma_start3A_29 : memref<21760xf32, #tpu.memory_space<hbm>>) target_semaphore(%run_scoped3A : memref<!tpu.dma_semaphore, #tpu.memory_space<semaphore_mem>>)
        %dma_wait3A = tpu.memref_slice %arg5[%add3A_21] : memref<7311360xf32, #tpu.memory_space<hbm>> -> memref<21760xf32, #tpu.memory_space<hbm>>
        %dma_wait3A_30 = tpu.memref_slice %arg5[%add3A_21] : memref<7311360xf32, #tpu.memory_space<hbm>> -> memref<21760xf32, #tpu.memory_space<hbm>>
        tpu.wait_dma2 semaphore(%run_scoped3A : memref<!tpu.dma_semaphore, #tpu.memory_space<semaphore_mem>>) src(%arg7 : memref<21760xf32, #tpu.memory_space<vmem>>) dst(%dma_wait3A_30 : memref<21760xf32, #tpu.memory_space<hbm>>)
        tpu.yield
      }) : () -> ()
    } else {
    }
    return
  }
}

</mosaic_0001>

<sc_bundles>
// kernel: kernel.3.cloned.1.call-start
scs
__scs_entry_jumppad:
0x0: {  	(pc) =	sbr.rel $0x88, $3  }
0x1: {  	(tag) =	ssettag $0x0;
	lr =	simm.s32 $0x1  }
0x2: {  	[smem:$0x3F9E] =	sst lr;
	_ =	strace $0xD0000000  }
0x3: {  	_ = 	snop  }
0x4: {  	_ = 	snop  }
0x5: {  	_ = 	snop  }
0x6: {  	_ = 	snop  }
0x7: {  	_ = 	snop  }
__scs_overlays_trampoline_lowered:
0x8: {  	[smem:$0x3FAD] =	sst s0  }
0x9: {  	[smem:$0x3FAE] =	sst s1  }
0xa: {  	[smem:$0x3FAF] =	sst s2  }
0xb: {  	[smem:$0x3FB0] =	sst s3  }
0xc: {  	[smem:$0x3FB1] =	sst s4  }
0xd: {  	[smem:$0x3FB2] =	sst s5  }
0xe: {  	[smem:$0x3FB3] =	sst s6  }
0xf: {  	[smem:$0x3FB4] =	sst s7  }
0x10: {  	[smem:$0x3FB5] =	sst s8  }
0x11: {  	[smem:$0x3FB6] =	sst s9;
	s0 =	simm.s32 @!p0 $0x0  }
0x12: {  	s1 =	sld [smem:$0x3F9C];
	s0 =	simm.s32 @p0 $0x1  }
0x13: {  	[smem:$0x3FB7] =	sst s0;
	s0 =	simm.s32 @!p1 $0x0  }
0x14: {  	s2 =	sld [smem:$0x3F9B];
	s0 =	simm.s32 @p1 $0x1  }
0x15: {  	[smem:$0x3FB8] =	sst s0;
	s0 =	simm.s32 @!p2 $0x0  }
0x16: {  	s3 =	sld [smem:$0x3FDB];
	s0 =	simm.s32 @p2 $0x1  }
0x17: {  	s4 =	simm.s32 $0x1BF5;
	[smem:$0x3FBA] =	sst s0  }
0x18: {  	s0 =	sld [smem:$0x3F9D];
	_ =	swait.ge [sflag:s4], $0x0  }
0x19: {  	s7 =	sld [smem:$0x3F9E]  }
0x1a: {  	s8 =	sadd.s32 $0xFFFFE003, lr  }
0x1b: {  	s9 =	sadd.s32 $0xFFFFFEF7, lr;
	s5 =	simm.s32 $0xFFFFFFFF;
	p2 =	slt.u32 s8, $0xFFFFF086  }
0x1c: {  	p1 =	slt.u32 s9, $0xF7A;
	s5 =	simm.s32 @!p2 $0x0  }
0x1d: {  	s5 =	simm.s32 @p1 $0x1;
	p0 =	seq.s32 s7, s2  }
0x1e: {  	s7 =	smul.u32 @!p0 $0xF7A, s2;
	p2 =	seq.s32 @!p0 s5, $0x0  }
0x1f: {  	s9 =	smul.u32 $0xF7A, s1;
	s8 =	simm.s32 @!p0 $0x1BF5;
	p2 =	por !p2, p0  }
0x20: {  	[sflag:s8] =	ssyncset.s32 @!p0 $0xFFFFF086;
	s6 =	sadd.s32 @!p0 s3, s7;
	s7 =	simm.s32 @!p0 $0x108  }
0x21: {  	s3 =	sadd.s32 s3, s9;
	s6 =	sadd.s32 @!p0 $0x88, s6;
	s7 =	simm.s32 @p2 $0x1082  }
0x22: {  	[simem:s7], [sflag:s8] =	dma.local @!p0 [hbm:s6], $0xF7A  }
0x23: {  	s9 =	sor.u32 $0xD0000000, s2;
	s6 =	simm.s32 $0x108;
	_ =	swait.ge @!p0 [sflag:s8], $0x0  }
0x24: {  	s3 =	sadd.s32 $0x88, s3;
	s6 =	simm.s32 @!p1 $0x1082;
	[sflag:s4] =	ssyncset.s32 $0xFFFFF086  }
0x25: {  	[simem:s6], [sflag:s4] =	dma.local [hbm:s3], $0xF7A  }
0x26: {  	[smem:$0x3F9E] =	sst s1;
	(tag) =	ssettag s2;
	_ =	strace s9  }
0x27: {  	s1 =	sld [smem:$0x3FAE]  }
0x28: {  	s2 =	sld [smem:$0x3FAF]  }
0x29: {  	s4 =	sld [smem:$0x3FB1]  }
0x2a: {  	p0 =	seq.s32 s5, $0x0;
	s5 =	sld [smem:$0x3FB2]  }
0x2b: {  	s6 =	sld [smem:$0x3FB3]  }
0x2c: {  	s7 =	sld [smem:$0x3FB4]  }
0x2d: {  	s3 =	simm.s32 $0x108;
	s8 =	sld [smem:$0x3FB5]  }
0x2e: {  	s3 =	simm.s32 @!p0 $0x1082;
	s9 =	sld [smem:$0x3FB6]  }
0x2f: {  	lr =	sadd.s32 s0, s3;
	s0 =	sld [smem:$0x3FAD]  }
0x30: {  	s3 =	sld [smem:$0x3FB0]  }
0x31: {  	[smem:$0x3FB9] =	sst s10  }
0x32: {  	s10 =	sld [smem:$0x3FB7];
	_ =	sdelay $0x3  }
0x33: {  	p0 =	seq.s32 s10, $0x1;
	s10 =	sld [smem:$0x3FB9];
	_ =	sdelay $0x3  }
0x34: {  	[smem:$0x3FB9] =	sst s10  }
0x35: {  	s10 =	sld [smem:$0x3FB8];
	_ =	sdelay $0x3  }
0x36: {  	p1 =	seq.s32 s10, $0x1;
	s10 =	sld [smem:$0x3FB9];
	_ =	sdelay $0x3  }
0x37: {  	[smem:$0x3FB9] =	sst s10  }
0x38: {  	s10 =	sld [smem:$0x3FBA]  }
0x39: {  	_ = 	snop;
	(pc) =	sbr.ind lr, $3  }
0x3a: {  	_ = 	snop  }
0x3b: {  	_ = 	snop  }
0x3c: {  	p2 =	seq.s32 s10, $0x1;
	s10 =	sld [smem:$0x3FB9]  }
0x3d: {  	_ =	shalt  }
0x3e: {  	_ =	shalt  }
0x3f: {  	_ =	shalt  }
0x40: {  	_ =	shalt  }
0x41: {  	_ =	shalt  }
0x42: {  	_ =	shalt  }
0x43: {  	_ =	shalt  }
0x44: {  	_ =	shalt  }
0x45: {  	_ =	shalt  }
0x46: {  	_ =	shalt  }
0x47: {  	_ =	shalt  }
0x48: {  	_ =	shalt  }
0x49: {  	_ =	shalt  }
0x4a: {  	_ =	shalt  }
0x4b: {  	_ =	shalt  }
0x4c: {  	_ =	shalt  }
0x4d: {  	_ =	shalt  }
0x4e: {  	_ =	shalt  }
0x4f: {  	_ =	shalt  }
0x50: {  	_ =	shalt  }
0x51: {  	_ =	shalt  }
0x52: {  	_ =	shalt  }
0x53: {  	_ =	shalt  }
0x54: {  	_ =	shalt  }
0x55: {  	_ =	shalt  }
0x56: {  	_ =	shalt  }
0x57: {  	_ =	shalt  }
0x58: {  	_ =	shalt  }
0x59: {  	_ =	shalt  }
0x5a: {  	_ =	shalt  }
0x5b: {  	_ =	shalt  }
0x5c: {  	_ =	shalt  }
0x5d: {  	_ =	shalt  }
0x5e: {  	_ =	shalt  }
0x5f: {  	_ =	shalt  }
0x60: {  	_ =	shalt  }
0x61: {  	_ =	shalt  }
0x62: {  	_ =	shalt  }
0x63: {  	_ =	shalt  }
0x64: {  	_ =	shalt  }
0x65: {  	_ =	shalt  }
0x66: {  	_ =	shalt  }
0x67: {  	_ =	shalt  }
0x68: {  	_ =	shalt  }
0x69: {  	_ =	shalt  }
0x6a: {  	_ =	shalt  }
0x6b: {  	_ =	shalt  }
0x6c: {  	_ =	shalt  }
0x6d: {  	_ =	shalt  }
0x6e: {  	_ =	shalt  }
0x6f: {  	_ =	shalt  }
0x70: {  	_ =	shalt  }
0x71: {  	_ =	shalt  }
0x72: {  	_ =	shalt  }
0x73: {  	_ =	shalt  }
0x74: {  	_ =	shalt  }
0x75: {  	_ =	shalt  }
0x76: {  	_ =	shalt  }
0x77: {  	_ =	shalt  }
0x78: {  	_ =	shalt  }
0x79: {  	_ =	shalt  }
0x7a: {  	_ =	shalt  }
0x7b: {  	_ =	shalt  }
0x7c: {  	_ =	shalt  }
0x7d: {  	_ =	shalt  }
0x7e: {  	_ =	shalt  }
0x7f: {  	_ =	shalt  }
0x80: {  	_ =	shalt  }
0x81: {  	_ =	shalt  }
0x82: {  	_ =	shalt  }
0x83: {  	_ =	shalt  }
0x84: {  	_ =	shalt  }
0x85: {  	_ =	shalt  }
0x86: {  	_ =	shalt  }
0x87: {  	_ =	shalt  }
.Lfunc_end0:
.L_simem_size_0:
called_computation_lowered:
.L_overlay_start_0:
0x88: {  	s2 =	sld [smem:$0x3FD9]  }
0x89: {  	s3 =	sld [smem:$0x3FFE];
	_ =	sdelay $0x1  }
0x8a: {  	s1 =	srdreg.scid  }
0x8b: {  	s0 =	sand.u32 $0x1, s1  }
0x8c: {  	s17 =	sshll.u32 s0, $0xA;
	s2 =	sadd.s32 s3, s2  }
0x8d: {  	s2 =	sadd.s32 s2, s17  }
0x8e: {  	[smem:$0x3FC5] =	sst s2  }
0x8f: {  	_ = 	snop  }
0x90: {  	s2 =	sld [smem:$0x3FD0];
	(tm) =	ssettm $0x1  }
0x91: {  	s18 =	sld [smem:$0x3FFB];
	_ =	sdelay $0x3  }
0x92: {  	_ =	strace s18  }
0x93: {  	s3 =	sld [smem:$0x3FFC];
	_ =	sdelay $0x3  }
0x94: {  	_ =	strace s3  }
0x95: {  	s3 =	sld [smem:$0x3FFD];
	_ =	sdelay $0x3  }
0x96: {  	_ =	strace s3  }
0x97: {  	_ =	strace $0x8FFFFFFF  }
0x98: {  	s19 =	sld [smem:$0x3FDB];
	_ =	sdelay $0x1  }
0x99: {  	s4 =	simm.s32 $_scs_section_size  }
0x9a: {  	s5 =	simm.s32 $_size__tile_overlayer_lowered;
	s6 =	simm.s32 $_tile_overlayer_lowered  }
0x9b: {  	s22 =	simm.s32 $0x1BFF;
	s21 =	sshll.u32 s6, $0x1;
	s3 =	sadd.s32 s4, s19  }
0x9c: {  	s7 =	simm.s32 $0x0;
	s20 =	sshll.u32 s5, $0x1;
	s5 =	sadd.s32 s21, s3  }
0x9d: {  	[timem:s7], [sflag:s22] =	dma.local [hbm:s5], s20  }
0x9e: {  	_ =	swait.ge [sflag:s22], s20  }
0x9f: {  	s4 =	ssub.s32 $0x0, s20;
	[sflag:s22] =	ssyncset.done $0x0  }
0xa0: {  	[sflag:s22] =	ssyncadd.s32 s4;
	_ =	sdelay $0x1  }
0xa1: {  	s23 =	simm.s32 $0x1B8B  }
0xa2: {  	_ =	swait.ge [sflag:s23], $0x1  }
0xa3: {  	[sflag:s23] =	ssyncset.done $0x0  }
0xa4: {  	s25 =	simm.s32 $0x1B8E;
	s24 =	sld [smem:$0x3FFE];
	[sflag:s23] =	ssyncadd.s32 $0xFFFFFFFF  }
0xa5: {  	s26 =	simm.s32 $execute0_lowered;
	[smem:$0x3FD2] =	sst s25  }
0xa6: {  	s5 =	sshll.u32 s26, $0x1;
	_ =	strace $0x80000046;
	[dreg:$0x1] =	wrdreg $0xFFFFFFFF  }
0xa7: {  	s28 =	simm.s32 $_size_execute0_lowered;
	s3 =	sadd.s32 s3, s5;
	[dreg:$0x0] =	wrdreg $0x0  }
0xa8: {  	s5 =	sshll.u32 s28, $0x1;
	[dreg:$0x2] =	wrdreg s3  }
0xa9: {  	[dreg:$0x3] =	wrdreg s5  }
0xaa: {  	[dreg:$0x4] =	wrdreg $0xC0  }
0xab: {  	_ =	task [dreg:s7], $0x5FFFF  }
0xac: {  	[dreg:$0x1] =	wrdreg $0xFFFFFFFF  }
0xad: {  	[dreg:$0x0] =	wrdreg $0x60  }
0xae: {  	[dreg:$0x2] =	wrdreg s24  }
0xaf: {  	[dreg:$0x3] =	wrdreg s2  }
0xb0: {  	[dreg:$0x4] =	wrdreg $0x9  }
0xb1: {  	_ =	task.clear_ibuf [dreg:s7], $0x5FFFF;
	_ =	strace $0x90000046  }
0xb2: {  	s29 =	simm.s32 $0x9;
	_ =	strace $0x80000048  }
0xb3: {  	_ =	swait.ge [sflag:s29], $0x1  }
0xb4: {  	[sflag:s29] =	ssyncadd.s32 $0xFFFFFFFF  }
0xb5: {  	_ =	strace $0x90000048  }
0xb6: {  	_ =	sfence  }
0xb7: {  	s30 =	sld [smem:$0x0];
	_ =	sdelay $0x2  }
0xb8: {  	s31 =	sshll.u32 s1, $0xD;
	s1 =	sshrl.u32 s1, $0x2  }
0xb9: {  	s3 =	sand.u32 $0x4000, s31;
	s1 =	sadd.s32 s1, s30  }
0xba: {  	s0 =	sor.u32 s3, s0;
	s1 =	sshll.u32 s1, $0x11  }
0xbb: {  	s0 =	sor.u32 s1, s0  }
0xbc: {  	s0 =	sadd.s32 $0x8F2B, s0  }
0xbd: {  	[sflag:s0] =	ssyncadd.remote.s32 $0x1  }
0xbe: {  	_ =	sfence.sel $0xFFFF  }
0xbf: {  	[dreg:$0x0] =	wrdreg $0xFFFFFFFF;
	(pc) =	sbr.abs _section_cstart, $3  }
0xc0: {  	[dreg:$0x1] =	wrdreg $0xFFFFFFFF  }
0xc1: {  	_ =	task.clear_ibuf [dreg:s7], $0x2FFFF;
	_ =	strace $0x9FFFFFFF  }
0xc2: {  	(tm) =	ssettm $0x7FFFFFFF  }
0xc3: {  	_ =	shalt  }
tec
execute0_lowered:
.L_overlay_start_1:
0x0: {  	(tag) =	ssettag $0x1  }
0x1: {  	s9 =	rddreg [dreg:$0x0]  }
0x2: {  	s2 =	rddreg [dreg:$0x1]  }
0x3: {  	s0 =	rddreg [dreg:$0x2]  }
0x4: {  	s4 =	srdreg.scid;
	s1 =	stileid.u32  }
0x5: {  	s3 =	simm.s32 $0x0;
	s16 =	simm.s32 $0x0;
	s6 =	smul.u32 $0x6F900, s1  }
0x6: {  	s8 =	sand.u32 $0x1, s4;
	s30 =	sshll.u32 s1, $0x1;
	s14 =	smul.u32 $0x55000, s1  }
0x7: {  	[smem:$0x7FF] =	sst s3;
	s7 =	smul.u32 $0x2A800, s8;
	s12 =	sor.u32 s8, s30  }
0x8: {  	s4 =	sadd.s32 $0x35600, s9;
	s5 =	sadd.s32 $0xAE00, s9;
	s11 =	smul.u32 $0x6F900, s12  }
0x9: {  	p0 =	sgt.u32 s1, $0x7;
	s10 =	ssub.s32 $0x2, s8;
	s15 =	smul.u32 $0xAA0, s12  }
0xa: {  	_ =	strace $0x80000047;
	s13 =	sshrl.u32 s10, $0x1;
	s12 =	smul.u32 $0x15400, s12  }
.Ltmp0:
0xb: {  	s8 =	sshll.u32 s8, $0xB;
	s13 =	ssub.s32 s10, s13;
	(pc) =	sbr.rel .LBB2_1-.Ltmp0, $4  }
0xc: {  	s6 =	sadd.s32 s6, s7;
	s7 =	sadd.s32 s14, s7;
	s31 =	sadd.s32 $0xFF907000, s11  }
0xd: {  	s14 =	simm.s32 $0x1;
	s9 =	sadd.s32 s9, s15;
	s10 =	sshrl.u32 s31, $0x3  }
0xe: {  	s11 =	sadd.s32 $0x55000, s11;
	s13 =	smax.u32 s13, $0x1;
	s10 =	sadd.s32 s2, s10  }
0xf: {  	v0 =	vlaneseq.u32;
	s15 =	simm.s32 $0x5500;
	s9 =	sadd.s32 $0xFFFF5A00, s9;
	s10 =	sadd.s32 $0xD480, s10  }
.LBB2_12:
0x10: {  	s16 =	sadd.s32 $0x1, s16  }
0x11: {  	p1 =	sne.s32 s16, s13  }
.Ltmp1:
0x12: {  	_ = 	snop;
	(pc) =	sbr.rel @!p1 .LBB2_13-.Ltmp1, $1  }
0x13: {  	_ =	sdelay $0x3  }
.LBB2_1:
0x14: {  	s17 =	simm.s32 $0x0  }
.LBB2_2:
0x15: {  	s18 =	smul.u32 $0x5500, s17;
	_ =	sdelay $0x1  }
0x16: {  	s19 =	sadd.s32 s7, s18  }
0x17: {  	s19 =	sshrl.u32 s19, $0x3  }
0x18: {  	s19 =	sadd.s32 s4, s19  }
0x19: {  	[tilespmem:s3], [sflag:$0x1] =	stream.linear.gather [hbm4b:s19+s3], $0x5500, $0x38;
	[tilespmem:$0xAA00] =	vst v63  }
0x1a: {  	_ =	swait.ge [sflag:s14], $0x5500  }
0x1b: {  	[sflag:s14] =	ssyncset.done $0x0  }
0x1c: {  	s20 =	simm.s32 $0x40;
	[sflag:s14] =	ssyncadd.s32 $0xFFFFAB00  }
0x1d: {  	s23 =	simm.s32 $0x0;
	v2 =	vld [tilespmem:s20+$0xFFFFFFC0]  }
0x1e: {  	v3 =	vor.u32 s23, v0  }
0x1f: {  	v1 =	vcvt.s32.f32 v3;
	_ =	sdelay $0x1  }
0x20: {  	v1 =	vadd.f32 $5.000000000e-01, v1  }
0x21: {  	v4 =	vmul.f32 $1.442695020e+00, v2  }
0x22: {  	v1 =	vmul.f32 $1.176470610e-02, v1  }
0x23: {  	(erf) = vpow2.f32 v4  }
0x24: {  	s24 =	sshll.u32 s17, $0x8;
	v1 =	vtrunc.f32 v1  }
0x25: {  	s19 =	sadd.s32 s8, s24;
	v19 =	vcvt.f32.s32 v1  }
0x26: {  	v1 =	vmov s19  }
0x27: {  	v5 =	vmul.u32 $0xFFFFFFAB, v19;
	v6 =	vadd.s32 v19, v1  }
0x28: {  	v6 =	vshra.s32 v6, $0x6;
	v4 =	vand.u32 $0x3F, v19  }
0x29: {  	v3 =	vadd.s32 v3, v5;
	v20 =	vcvt.s32.f32 v6;
	v4 =	vcvt.s32.f32 v4  }
0x2a: {  	vm0 =	veq.s32 v3, $0x0  }
0x2b: {  	v4 =	vsel vm0, v4, v20  }
0x2c: {  	v4 =	vadd.f32 v2, v4;
	v21 =	vpop (erf)  }
0x2d: {  	v5 =	vmul.f32 $8.000000000e+00, v21  }
0x2e: {  	vm6 =	vlt.s32 v3, $0x4;
	v4 =	vmul.f32 $8.000000000e+00, v4  }
0x2f: {  	vm1 =	vlt.s32 v3, $0x2;
	v2 =	vsel vm6, v5, v2  }
0x30: {  	s19 =	simm.s32 $0x5540;
	v2 =	vsel vm1, v4, v2  }
0x31: {  	[tilespmem:s19+$0xFFFFFFC0] =	vst v2  }
0x32: {  	s21 =	simm.s32 $0x10;
	v2 =	vld [tilespmem:s20+$0xFFFFFFD0]  }
0x33: {  	v3 =	vor.u32 s21, v0  }
0x34: {  	v22 =	vcvt.s32.f32 v3;
	_ =	sdelay $0x1  }
0x35: {  	v4 =	vadd.f32 $5.000000000e-01, v22  }
0x36: {  	v23 =	vmul.f32 $1.442695020e+00, v2  }
0x37: {  	v4 =	vmul.f32 $1.176470610e-02, v4  }
0x38: {  	(erf) = vpow2.f32 v23  }
0x39: {  	v4 =	vtrunc.f32 v4  }
0x3a: {  	v4 =	vcvt.f32.s32 v4;
	_ =	sdelay $0x1  }
0x3b: {  	v24 =	vmul.u32 $0xFFFFFFAB, v4;
	v25 =	vadd.s32 v4, v1  }
0x3c: {  	v4 =	vand.u32 $0x3F, v4;
	v6 =	vshra.s32 v25, $0x6  }
0x3d: {  	v4 =	vcvt.s32.f32 v4;
	v3 =	vadd.s32 v3, v24;
	v26 =	vcvt.s32.f32 v6  }
0x3e: {  	vm7 =	veq.s32 v3, $0x0  }
0x3f: {  	v4 =	vsel vm7, v4, v26  }
0x40: {  	v4 =	vadd.f32 v2, v4;
	v27 =	vpop (erf)  }
0x41: {  	v5 =	vmul.f32 $8.000000000e+00, v27  }
0x42: {  	vm8 =	vlt.s32 v3, $0x4;
	v4 =	vmul.f32 $8.000000000e+00, v4  }
0x43: {  	vm9 =	vlt.s32 v3, $0x2;
	v2 =	vsel vm8, v5, v2  }
0x44: {  	v2 =	vsel vm9, v4, v2  }
0x45: {  	[tilespmem:s19+$0xFFFFFFD0] =	vst v2  }
0x46: {  	s25 =	simm.s32 $0x20;
	v2 =	vld [tilespmem:s20+$0xFFFFFFE0]  }
0x47: {  	v3 =	vor.u32 s25, v0  }
0x48: {  	v28 =	vcvt.s32.f32 v3;
	_ =	sdelay $0x1  }
0x49: {  	v4 =	vadd.f32 $5.000000000e-01, v28  }
0x4a: {  	v29 =	vmul.f32 $1.442695020e+00, v2  }
0x4b: {  	v4 =	vmul.f32 $1.176470610e-02, v4  }
0x4c: {  	(erf) = vpow2.f32 v29  }
0x4d: {  	v4 =	vtrunc.f32 v4  }
0x4e: {  	v4 =	vcvt.f32.s32 v4;
	_ =	sdelay $0x1  }
0x4f: {  	v30 =	vmul.u32 $0xFFFFFFAB, v4;
	v31 =	vadd.s32 v4, v1  }
0x50: {  	v4 =	vand.u32 $0x3F, v4;
	v6 =	vshra.s32 v31, $0x6  }
0x51: {  	v4 =	vcvt.s32.f32 v4;
	v3 =	vadd.s32 v3, v30;
	v32 =	vcvt.s32.f32 v6  }
0x52: {  	vm10 =	veq.s32 v3, $0x0  }
0x53: {  	v4 =	vsel vm10, v4, v32  }
0x54: {  	v4 =	vadd.f32 v2, v4;
	v33 =	vpop (erf)  }
0x55: {  	v5 =	vmul.f32 $8.000000000e+00, v33  }
0x56: {  	vm11 =	vlt.s32 v3, $0x4;
	v4 =	vmul.f32 $8.000000000e+00, v4  }
0x57: {  	vm12 =	vlt.s32 v3, $0x2;
	v2 =	vsel vm11, v5, v2  }
0x58: {  	v2 =	vsel vm12, v4, v2  }
0x59: {  	[tilespmem:s19+$0xFFFFFFE0] =	vst v2  }
0x5a: {  	s26 =	simm.s32 $0x30;
	v2 =	vld [tilespmem:s20+$0xFFFFFFF0]  }
0x5b: {  	v3 =	vor.u32 s26, v0  }
0x5c: {  	v34 =	vcvt.s32.f32 v3;
	_ =	sdelay $0x1  }
0x5d: {  	v4 =	vadd.f32 $5.000000000e-01, v34  }
0x5e: {  	v35 =	vmul.f32 $1.442695020e+00, v2  }
0x5f: {  	v4 =	vmul.f32 $1.176470610e-02, v4  }
0x60: {  	(erf) = vpow2.f32 v35  }
0x61: {  	v4 =	vtrunc.f32 v4  }
0x62: {  	v4 =	vcvt.f32.s32 v4;
	_ =	sdelay $0x1  }
0x63: {  	v36 =	vmul.u32 $0xFFFFFFAB, v4;
	v37 =	vadd.s32 v4, v1  }
0x64: {  	v4 =	vand.u32 $0x3F, v4;
	v6 =	vshra.s32 v37, $0x6  }
0x65: {  	v4 =	vcvt.s32.f32 v4;
	v3 =	vadd.s32 v3, v36;
	v38 =	vcvt.s32.f32 v6  }
0x66: {  	vm13 =	veq.s32 v3, $0x0  }
0x67: {  	v4 =	vsel vm13, v4, v38  }
0x68: {  	v4 =	vadd.f32 v2, v4;
	v39 =	vpop (erf)  }
0x69: {  	v5 =	vmul.f32 $8.000000000e+00, v39  }
0x6a: {  	vm14 =	vlt.s32 v3, $0x4;
	v4 =	vmul.f32 $8.000000000e+00, v4  }
0x6b: {  	vm15 =	vlt.s32 v3, $0x2;
	v2 =	vsel vm14, v5, v2  }
0x6c: {  	v2 =	vsel vm15, v4, v2  }
0x6d: {  	[tilespmem:s19+$0xFFFFFFF0] =	vst v2  }
0x6e: {  	s28 =	simm.s32 $0x40;
	v2 =	vld [tilespmem:s20+$0x0]  }
0x6f: {  	v3 =	vor.u32 s28, v0  }
0x70: {  	v40 =	vcvt.s32.f32 v3;
	_ =	sdelay $0x1  }
0x71: {  	v4 =	vadd.f32 $5.000000000e-01, v40  }
0x72: {  	v41 =	vmul.f32 $1.442695020e+00, v2  }
0x73: {  	v4 =	vmul.f32 $1.176470610e-02, v4  }
0x74: {  	(erf) = vpow2.f32 v41  }
0x75: {  	v4 =	vtrunc.f32 v4  }
0x76: {  	v4 =	vcvt.f32.s32 v4;
	_ =	sdelay $0x1  }
0x77: {  	v42 =	vmul.u32 $0xFFFFFFAB, v4;
	v43 =	vadd.s32 v4, v1  }
0x78: {  	v4 =	vand.u32 $0x3F, v4;
	v6 =	vshra.s32 v43, $0x6  }
0x79: {  	v4 =	vcvt.s32.f32 v4;
	v3 =	vadd.s32 v3, v42;
	v44 =	vcvt.s32.f32 v6  }
0x7a: {  	vm4 =	veq.s32 v3, $0x0  }
0x7b: {  	v4 =	vsel vm4, v4, v44  }
0x7c: {  	v4 =	vadd.f32 v2, v4;
	v45 =	vpop (erf)  }
0x7d: {  	v5 =	vmul.f32 $8.000000000e+00, v45  }
0x7e: {  	vm5 =	vlt.s32 v3, $0x4;
	v4 =	vmul.f32 $8.000000000e+00, v4  }
0x7f: {  	vm6 =	vlt.s32 v3, $0x2;
	v2 =	vsel vm5, v5, v2  }
0x80: {  	v2 =	vsel vm6, v4, v2  }
0x81: {  	[tilespmem:s19+$0x0] =	vst v2  }
0x82: {  	s29 =	simm.s32 $0x50;
	v2 =	vld [tilespmem:s20+$0x10]  }
0x83: {  	v3 =	vor.u32 s29, v0  }
0x84: {  	v46 =	vcvt.s32.f32 v3;
	_ =	sdelay $0x1  }
0x85: {  	v4 =	vadd.f32 $5.000000000e-01, v46  }
0x86: {  	v47 =	vmul.f32 $1.442695020e+00, v2  }
0x87: {  	v4 =	vmul.f32 $1.176470610e-02, v4  }
0x88: {  	(erf) = vpow2.f32 v47  }
0x89: {  	v4 =	vtrunc.f32 v4  }
0x8a: {  	v4 =	vcvt.f32.s32 v4;
	_ =	sdelay $0x1  }
0x8b: {  	v48 =	vmul.u32 $0xFFFFFFAB, v4;
	v49 =	vadd.s32 v4, v1  }
0x8c: {  	v4 =	vand.u32 $0x3F, v4;
	v6 =	vshra.s32 v49, $0x6  }
0x8d: {  	v4 =	vcvt.s32.f32 v4;
	v3 =	vadd.s32 v3, v48;
	v50 =	vcvt.s32.f32 v6  }
0x8e: {  	vm7 =	veq.s32 v3, $0x0  }
0x8f: {  	v4 =	vsel vm7, v4, v50  }
0x90: {  	v4 =	vadd.f32 v2, v4;
	v51 =	vpop (erf)  }
0x91: {  	v5 =	vmul.f32 $8.000000000e+00, v51  }
0x92: {  	vm8 =	vlt.s32 v3, $0x4;
	v4 =	vmul.f32 $8.000000000e+00, v4  }
0x93: {  	vm9 =	vlt.s32 v3, $0x2;
	v2 =	vsel vm8, v5, v2  }
0x94: {  	v2 =	vsel vm9, v4, v2  }
0x95: {  	[tilespmem:s19+$0x10] =	vst v2  }
0x96: {  	s30 =	simm.s32 $0x60;
	v2 =	vld [tilespmem:s20+$0x20]  }
0x97: {  	v3 =	vor.u32 s30, v0  }
0x98: {  	v52 =	vcvt.s32.f32 v3;
	_ =	sdelay $0x1  }
0x99: {  	v4 =	vadd.f32 $5.000000000e-01, v52  }
0x9a: {  	v53 =	vmul.f32 $1.442695020e+00, v2  }
0x9b: {  	v4 =	vmul.f32 $1.176470610e-02, v4  }
0x9c: {  	(erf) = vpow2.f32 v53  }
0x9d: {  	v4 =	vtrunc.f32 v4  }
0x9e: {  	v4 =	vcvt.f32.s32 v4;
	_ =	sdelay $0x1  }
0x9f: {  	v54 =	vmul.u32 $0xFFFFFFAB, v4;
	v55 =	vadd.s32 v4, v1  }
0xa0: {  	v4 =	vand.u32 $0x3F, v4;
	v6 =	vshra.s32 v55, $0x6  }
0xa1: {  	v4 =	vcvt.s32.f32 v4;
	v3 =	vadd.s32 v3, v54;
	v56 =	vcvt.s32.f32 v6  }
0xa2: {  	vm10 =	veq.s32 v3, $0x0  }
0xa3: {  	v4 =	vsel vm10, v4, v56  }
0xa4: {  	v4 =	vadd.f32 v2, v4;
	v57 =	vpop (erf)  }
0xa5: {  	v5 =	vmul.f32 $8.000000000e+00, v57  }
0xa6: {  	vm11 =	vlt.s32 v3, $0x4;
	v4 =	vmul.f32 $8.000000000e+00, v4  }
0xa7: {  	vm12 =	vlt.s32 v3, $0x2;
	v2 =	vsel vm11, v5, v2  }
0xa8: {  	v2 =	vsel vm12, v4, v2  }
0xa9: {  	[tilespmem:s19+$0x20] =	vst v2  }
0xaa: {  	s31 =	simm.s32 $0x70;
	v2 =	vld [tilespmem:s20+$0x30]  }
0xab: {  	v3 =	vor.u32 s31, v0  }
0xac: {  	v58 =	vcvt.s32.f32 v3;
	_ =	sdelay $0x1  }
0xad: {  	v4 =	vadd.f32 $5.000000000e-01, v58  }
0xae: {  	v59 =	vmul.f32 $1.442695020e+00, v2  }
0xaf: {  	v4 =	vmul.f32 $1.176470610e-02, v4  }
0xb0: {  	(erf) = vpow2.f32 v59  }
0xb1: {  	v4 =	vtrunc.f32 v4  }
0xb2: {  	v4 =	vcvt.f32.s32 v4;
	_ =	sdelay $0x1  }
0xb3: {  	v60 =	vmul.u32 $0xFFFFFFAB, v4;
	v61 =	vadd.s32 v4, v1  }
0xb4: {  	v4 =	vand.u32 $0x3F, v4;
	v6 =	vshra.s32 v61, $0x6  }
0xb5: {  	v4 =	vcvt.s32.f32 v4;
	v3 =	vadd.s32 v3, v60;
	v62 =	vcvt.s32.f32 v6  }
0xb6: {  	vm13 =	veq.s32 v3, $0x0  }
0xb7: {  	v4 =	vsel vm13, v4, v62  }
0xb8: {  	v4 =	vadd.f32 v2, v4;
	v63 =	vpop (erf)  }
0xb9: {  	v5 =	vmul.f32 $8.000000000e+00, v63  }
0xba: {  	vm14 =	vlt.s32 v3, $0x4;
	v4 =	vmul.f32 $8.000000000e+00, v4  }
0xbb: {  	vm15 =	vlt.s32 v3, $0x2;
	v2 =	vsel vm14, v5, v2  }
0xbc: {  	v2 =	vsel vm15, v4, v2  }
0xbd: {  	s22 =	simm.s32 $0xC0;
	s21 =	simm.s32 $0xF0;
	s20 =	simm.s32 $0x0;
	[tilespmem:s19+$0x30] =	vst v2  }
.LBB2_3:
0xbe: {  	s23 =	sadd.s32 $0xFFFFFF90, s21;
	v2 =	vld [tilespmem:s22+$0xFFFFFFC0];
	s20 =	sadd.s32 $0x8, s20  }
0xbf: {  	v3 =	vor.u32 s23, v0;
	p1 =	slt.u32 s20, $0x548  }
0xc0: {  	v4 =	vcvt.s32.f32 v3;
	_ =	sdelay $0x1  }
0xc1: {  	v4 =	vadd.f32 $5.000000000e-01, v4  }
0xc2: {  	v5 =	vmul.f32 $1.442695020e+00, v2  }
0xc3: {  	v4 =	vmul.f32 $1.176470610e-02, v4  }
0xc4: {  	(erf) = vpow2.f32 v5  }
0xc5: {  	v4 =	vtrunc.f32 v4  }
0xc6: {  	v4 =	vcvt.f32.s32 v4;
	_ =	sdelay $0x1  }
0xc7: {  	v5 =	vmul.u32 $0xFFFFFFAB, v4;
	v6 =	vadd.s32 v4, v1  }
0xc8: {  	v4 =	vand.u32 $0x3F, v4;
	v6 =	vshra.s32 v6, $0x6  }
0xc9: {  	v4 =	vcvt.s32.f32 v4;
	v3 =	vadd.s32 v3, v5;
	v6 =	vcvt.s32.f32 v6  }
0xca: {  	vm0 =	veq.s32 v3, $0x0  }
0xcb: {  	v4 =	vsel vm0, v4, v6  }
0xcc: {  	v4 =	vadd.f32 v2, v4;
	v5 =	vpop (erf)  }
0xcd: {  	v5 =	vmul.f32 $8.000000000e+00, v5  }
0xce: {  	vm0 =	vlt.s32 v3, $0x4;
	v4 =	vmul.f32 $8.000000000e+00, v4  }
0xcf: {  	vm1 =	vlt.s32 v3, $0x2;
	v2 =	vsel vm0, v5, v2  }
0xd0: {  	s19 =	sadd.s32 $0x80, s19;
	v2 =	vsel vm1, v4, v2  }
0xd1: {  	[tilespmem:s19+$0xFFFFFFC0] =	vst v2  }
0xd2: {  	s23 =	sadd.s32 $0xFFFFFFA0, s21;
	v2 =	vld [tilespmem:s22+$0xFFFFFFD0]  }
0xd3: {  	v3 =	vor.u32 s23, v0  }
0xd4: {  	v4 =	vcvt.s32.f32 v3;
	_ =	sdelay $0x1  }
0xd5: {  	v4 =	vadd.f32 $5.000000000e-01, v4  }
0xd6: {  	v5 =	vmul.f32 $1.442695020e+00, v2  }
0xd7: {  	v4 =	vmul.f32 $1.176470610e-02, v4  }
0xd8: {  	(erf) = vpow2.f32 v5  }
0xd9: {  	v4 =	vtrunc.f32 v4  }
0xda: {  	v4 =	vcvt.f32.s32 v4;
	_ =	sdelay $0x1  }
0xdb: {  	v5 =	vmul.u32 $0xFFFFFFAB, v4;
	v6 =	vadd.s32 v4, v1  }
0xdc: {  	v4 =	vand.u32 $0x3F, v4;
	v6 =	vshra.s32 v6, $0x6  }
0xdd: {  	v4 =	vcvt.s32.f32 v4;
	v3 =	vadd.s32 v3, v5;
	v6 =	vcvt.s32.f32 v6  }
0xde: {  	vm0 =	veq.s32 v3, $0x0  }
0xdf: {  	v4 =	vsel vm0, v4, v6  }
0xe0: {  	v4 =	vadd.f32 v2, v4;
	v5 =	vpop (erf)  }
0xe1: {  	v5 =	vmul.f32 $8.000000000e+00, v5  }
0xe2: {  	vm0 =	vlt.s32 v3, $0x4;
	v4 =	vmul.f32 $8.000000000e+00, v4  }
0xe3: {  	vm1 =	vlt.s32 v3, $0x2;
	v2 =	vsel vm0, v5, v2  }
0xe4: {  	v2 =	vsel vm1, v4, v2  }
0xe5: {  	[tilespmem:s19+$0xFFFFFFD0] =	vst v2  }
0xe6: {  	s23 =	sadd.s32 $0xFFFFFFB0, s21;
	v2 =	vld [tilespmem:s22+$0xFFFFFFE0]  }
0xe7: {  	v3 =	vor.u32 s23, v0  }
0xe8: {  	v4 =	vcvt.s32.f32 v3;
	_ =	sdelay $0x1  }
0xe9: {  	v4 =	vadd.f32 $5.000000000e-01, v4  }
0xea: {  	v5 =	vmul.f32 $1.442695020e+00, v2  }
0xeb: {  	v4 =	vmul.f32 $1.176470610e-02, v4  }
0xec: {  	(erf) = vpow2.f32 v5  }
0xed: {  	v4 =	vtrunc.f32 v4  }
0xee: {  	v4 =	vcvt.f32.s32 v4;
	_ =	sdelay $0x1  }
0xef: {  	v5 =	vmul.u32 $0xFFFFFFAB, v4;
	v6 =	vadd.s32 v4, v1  }
0xf0: {  	v4 =	vand.u32 $0x3F, v4;
	v6 =	vshra.s32 v6, $0x6  }
0xf1: {  	v4 =	vcvt.s32.f32 v4;
	v3 =	vadd.s32 v3, v5;
	v6 =	vcvt.s32.f32 v6  }
0xf2: {  	vm0 =	veq.s32 v3, $0x0  }
0xf3: {  	v4 =	vsel vm0, v4, v6  }
0xf4: {  	v4 =	vadd.f32 v2, v4;
	v5 =	vpop (erf)  }
0xf5: {  	v5 =	vmul.f32 $8.000000000e+00, v5  }
0xf6: {  	vm0 =	vlt.s32 v3, $0x4;
	v4 =	vmul.f32 $8.000000000e+00, v4  }
0xf7: {  	vm1 =	vlt.s32 v3, $0x2;
	v2 =	vsel vm0, v5, v2  }
0xf8: {  	v2 =	vsel vm1, v4, v2  }
0xf9: {  	[tilespmem:s19+$0xFFFFFFE0] =	vst v2  }
0xfa: {  	s23 =	sadd.s32 $0xFFFFFFC0, s21;
	v2 =	vld [tilespmem:s22+$0xFFFFFFF0]  }
0xfb: {  	v3 =	vor.u32 s23, v0  }
0xfc: {  	v4 =	vcvt.s32.f32 v3;
	_ =	sdelay $0x1  }
0xfd: {  	v4 =	vadd.f32 $5.000000000e-01, v4  }
0xfe: {  	v5 =	vmul.f32 $1.442695020e+00, v2  }
0xff: {  	v4 =	vmul.f32 $1.176470610e-02, v4  }
0x100: {  	(erf) = vpow2.f32 v5  }
0x101: {  	v4 =	vtrunc.f32 v4  }
0x102: {  	v4 =	vcvt.f32.s32 v4;
	_ =	sdelay $0x1  }
0x103: {  	v5 =	vmul.u32 $0xFFFFFFAB, v4;
	v6 =	vadd.s32 v4, v1  }
0x104: {  	v4 =	vand.u32 $0x3F, v4;
	v6 =	vshra.s32 v6, $0x6  }
0x105: {  	v4 =	vcvt.s32.f32 v4;
	v3 =	vadd.s32 v3, v5;
	v6 =	vcvt.s32.f32 v6  }
0x106: {  	vm0 =	veq.s32 v3, $0x0  }
0x107: {  	v4 =	vsel vm0, v4, v6  }
0x108: {  	v4 =	vadd.f32 v2, v4;
	v5 =	vpop (erf)  }
0x109: {  	v5 =	vmul.f32 $8.000000000e+00, v5  }
0x10a: {  	vm0 =	vlt.s32 v3, $0x4;
	v4 =	vmul.f32 $8.000000000e+00, v4  }
0x10b: {  	vm1 =	vlt.s32 v3, $0x2;
	v2 =	vsel vm0, v5, v2  }
0x10c: {  	v2 =	vsel vm1, v4, v2  }
0x10d: {  	[tilespmem:s19+$0xFFFFFFF0] =	vst v2  }
0x10e: {  	s23 =	sadd.s32 $0xFFFFFFD0, s21;
	v2 =	vld [tilespmem:s22+$0x0]  }
0x10f: {  	v3 =	vor.u32 s23, v0  }
0x110: {  	v4 =	vcvt.s32.f32 v3;
	_ =	sdelay $0x1  }
0x111: {  	v4 =	vadd.f32 $5.000000000e-01, v4  }
0x112: {  	v5 =	vmul.f32 $1.442695020e+00, v2  }
0x113: {  	v4 =	vmul.f32 $1.176470610e-02, v4  }
0x114: {  	(erf) = vpow2.f32 v5  }
0x115: {  	v4 =	vtrunc.f32 v4  }
0x116: {  	v4 =	vcvt.f32.s32 v4;
	_ =	sdelay $0x1  }
0x117: {  	v5 =	vmul.u32 $0xFFFFFFAB, v4;
	v6 =	vadd.s32 v4, v1  }
0x118: {  	v4 =	vand.u32 $0x3F, v4;
	v6 =	vshra.s32 v6, $0x6  }
0x119: {  	v4 =	vcvt.s32.f32 v4;
	v3 =	vadd.s32 v3, v5;
	v6 =	vcvt.s32.f32 v6  }
0x11a: {  	vm0 =	veq.s32 v3, $0x0  }
0x11b: {  	v4 =	vsel vm0, v4, v6  }
0x11c: {  	v4 =	vadd.f32 v2, v4;
	v5 =	vpop (erf)  }
0x11d: {  	v5 =	vmul.f32 $8.000000000e+00, v5  }
0x11e: {  	vm0 =	vlt.s32 v3, $0x4;
	v4 =	vmul.f32 $8.000000000e+00, v4  }
0x11f: {  	vm1 =	vlt.s32 v3, $0x2;
	v2 =	vsel vm0, v5, v2  }
0x120: {  	v2 =	vsel vm1, v4, v2  }
0x121: {  	[tilespmem:s19+$0x0] =	vst v2  }
0x122: {  	s23 =	sadd.s32 $0xFFFFFFE0, s21;
	v2 =	vld [tilespmem:s22+$0x10]  }
0x123: {  	v3 =	vor.u32 s23, v0  }
0x124: {  	v4 =	vcvt.s32.f32 v3;
	_ =	sdelay $0x1  }
0x125: {  	v4 =	vadd.f32 $5.000000000e-01, v4  }
0x126: {  	v5 =	vmul.f32 $1.442695020e+00, v2  }
0x127: {  	v4 =	vmul.f32 $1.176470610e-02, v4  }
0x128: {  	(erf) = vpow2.f32 v5  }
0x129: {  	v4 =	vtrunc.f32 v4  }
0x12a: {  	v4 =	vcvt.f32.s32 v4;
	_ =	sdelay $0x1  }
0x12b: {  	v5 =	vmul.u32 $0xFFFFFFAB, v4;
	v6 =	vadd.s32 v4, v1  }
0x12c: {  	v4 =	vand.u32 $0x3F, v4;
	v6 =	vshra.s32 v6, $0x6  }
0x12d: {  	v4 =	vcvt.s32.f32 v4;
	v3 =	vadd.s32 v3, v5;
	v6 =	vcvt.s32.f32 v6  }
0x12e: {  	vm0 =	veq.s32 v3, $0x0  }
0x12f: {  	v4 =	vsel vm0, v4, v6  }
0x130: {  	v4 =	vadd.f32 v2, v4;
	v5 =	vpop (erf)  }
0x131: {  	v5 =	vmul.f32 $8.000000000e+00, v5  }
0x132: {  	vm0 =	vlt.s32 v3, $0x4;
	v4 =	vmul.f32 $8.000000000e+00, v4  }
0x133: {  	vm1 =	vlt.s32 v3, $0x2;
	v2 =	vsel vm0, v5, v2  }
0x134: {  	v2 =	vsel vm1, v4, v2  }
0x135: {  	[tilespmem:s19+$0x10] =	vst v2  }
0x136: {  	s23 =	sadd.s32 $0xFFFFFFF0, s21;
	v2 =	vld [tilespmem:s22+$0x20]  }
0x137: {  	v3 =	vor.u32 s23, v0  }
0x138: {  	v4 =	vcvt.s32.f32 v3;
	_ =	sdelay $0x1  }
0x139: {  	v4 =	vadd.f32 $5.000000000e-01, v4  }
0x13a: {  	v5 =	vmul.f32 $1.442695020e+00, v2  }
0x13b: {  	v4 =	vmul.f32 $1.176470610e-02, v4  }
0x13c: {  	(erf) = vpow2.f32 v5  }
0x13d: {  	v4 =	vtrunc.f32 v4  }
0x13e: {  	v4 =	vcvt.f32.s32 v4;
	_ =	sdelay $0x1  }
0x13f: {  	v5 =	vmul.u32 $0xFFFFFFAB, v4;
	v6 =	vadd.s32 v4, v1  }
0x140: {  	v4 =	vand.u32 $0x3F, v4;
	v6 =	vshra.s32 v6, $0x6  }
0x141: {  	v4 =	vcvt.s32.f32 v4;
	v3 =	vadd.s32 v3, v5;
	v6 =	vcvt.s32.f32 v6  }
0x142: {  	vm0 =	veq.s32 v3, $0x0  }
0x143: {  	v4 =	vsel vm0, v4, v6  }
0x144: {  	v4 =	vadd.f32 v2, v4;
	v5 =	vpop (erf)  }
0x145: {  	v5 =	vmul.f32 $8.000000000e+00, v5  }
0x146: {  	vm0 =	vlt.s32 v3, $0x4;
	v4 =	vmul.f32 $8.000000000e+00, v4  }
0x147: {  	vm1 =	vlt.s32 v3, $0x2;
	v2 =	vsel vm0, v5, v2  }
0x148: {  	v2 =	vsel vm1, v4, v2  }
0x149: {  	[tilespmem:s19+$0x20] =	vst v2  }
0x14a: {  	v2 =	vld [tilespmem:s22+$0x30]  }
0x14b: {  	v3 =	vor.u32 s21, v0  }
0x14c: {  	v4 =	vcvt.s32.f32 v3;
	_ =	sdelay $0x1  }
0x14d: {  	v4 =	vadd.f32 $5.000000000e-01, v4  }
0x14e: {  	v5 =	vmul.f32 $1.442695020e+00, v2  }
0x14f: {  	v4 =	vmul.f32 $1.176470610e-02, v4  }
0x150: {  	(erf) = vpow2.f32 v5  }
0x151: {  	v4 =	vtrunc.f32 v4  }
0x152: {  	v4 =	vcvt.f32.s32 v4;
	_ =	sdelay $0x1  }
0x153: {  	v5 =	vmul.u32 $0xFFFFFFAB, v4;
	v6 =	vadd.s32 v4, v1  }
0x154: {  	v4 =	vand.u32 $0x3F, v4;
	v6 =	vshra.s32 v6, $0x6  }
0x155: {  	v4 =	vcvt.s32.f32 v4;
	v3 =	vadd.s32 v3, v5;
	v6 =	vcvt.s32.f32 v6  }
0x156: {  	vm0 =	veq.s32 v3, $0x0  }
0x157: {  	v4 =	vsel vm0, v4, v6  }
0x158: {  	v4 =	vadd.f32 v2, v4;
	v5 =	vpop (erf)  }
.Ltmp2:
0x159: {  	v5 =	vmul.f32 $8.000000000e+00, v5;
	(pc) =	sbr.rel @p1 .LBB2_3-.Ltmp2, $4  }
0x15a: {  	vm0 =	vlt.s32 v3, $0x4;
	v4 =	vmul.f32 $8.000000000e+00, v4  }
0x15b: {  	vm1 =	vlt.s32 v3, $0x2;
	v2 =	vsel vm0, v5, v2  }
0x15c: {  	v2 =	vsel vm1, v4, v2  }
0x15d: {  	s21 =	sadd.s32 $0x80, s21;
	s22 =	sadd.s32 $0x80, s22;
	[tilespmem:s19+$0x30] =	vst v2  }
0x15e: {  	s18 =	sadd.s32 s6, s18;
	s17 =	sadd.s32 $0x1, s17  }
0x15f: {  	s18 =	sshrl.u32 s18, $0x3;
	p1 =	sne.s32 s17, $0x8  }
.Ltmp3:
0x160: {  	s18 =	sadd.s32 s2, s18;
	(pc) =	sbr.rel @p1 .LBB2_2-.Ltmp3, $4  }
0x161: {  	[hbm4b:s18+s3] =	stream.linear.scatter [tilespmem:s15], [sflag:$0x1], $0x5500, $0x38;
	[tilespmem:$0xAA00] =	vst v63  }
0x162: {  	_ =	swait.ge [sflag:s14], $0x5500  }
0x163: {  	[sflag:s14] =	ssyncset.done $0x0  }
0x164: {  	[sflag:s14] =	ssyncadd.s32 $0xFFFFAB00  }
.Ltmp4:
0x165: {  	(pc) =	sbr.rel @p0 .LBB2_9-.Ltmp4, $2  }
0x166: {  	_ =	sdelay $0x2  }
0x167: {  	s17 =	simm.s32 $0x0  }
.LBB2_6:
0x168: {  	s18 =	smul.u32 $0x5500, s17;
	_ =	sdelay $0x1  }
0x169: {  	s19 =	sadd.s32 s12, s18  }
0x16a: {  	s19 =	sshrl.u32 s19, $0x3  }
0x16b: {  	s19 =	sadd.s32 s5, s19  }
0x16c: {  	[tilespmem:s3], [sflag:$0x1] =	stream.linear.gather [hbm4b:s19+s3], $0x5500, $0x38;
	[tilespmem:$0xAA00] =	vst v63  }
0x16d: {  	_ =	swait.ge [sflag:s14], $0x5500  }
0x16e: {  	[sflag:s14] =	ssyncset.done $0x0  }
0x16f: {  	s20 =	simm.s32 $0x40;
	[sflag:s14] =	ssyncadd.s32 $0xFFFFAB00  }
0x170: {  	s23 =	simm.s32 $0x0;
	v2 =	vld [tilespmem:s20+$0xFFFFFFC0]  }
0x171: {  	v3 =	vor.u32 s23, v0  }
0x172: {  	v1 =	vcvt.s32.f32 v3;
	_ =	sdelay $0x1  }
0x173: {  	v1 =	vadd.f32 $5.000000000e-01, v1  }
0x174: {  	v4 =	vmul.f32 $1.442695020e+00, v2  }
0x175: {  	v1 =	vmul.f32 $1.176470610e-02, v1  }
0x176: {  	(erf) = vpow2.f32 v4  }
0x177: {  	v1 =	vtrunc.f32 v1  }
0x178: {  	s24 =	sshll.u32 s17, $0x8;
	v19 =	vcvt.f32.s32 v1  }
0x179: {  	v1 =	vmov s24  }
0x17a: {  	v5 =	vmul.u32 $0xFFFFFFAB, v19;
	v6 =	vadd.s32 v19, v1  }
0x17b: {  	v6 =	vshra.s32 v6, $0x5;
	v4 =	vand.u32 $0x1F, v19  }
0x17c: {  	v3 =	vadd.s32 v3, v5;
	v20 =	vcvt.s32.f32 v6;
	v4 =	vcvt.s32.f32 v4  }
0x17d: {  	vm0 =	veq.s32 v3, $0x0  }
0x17e: {  	v4 =	vsel vm0, v4, v20  }
0x17f: {  	v4 =	vadd.f32 v2, v4;
	v21 =	vpop (erf)  }
0x180: {  	v5 =	vmul.f32 $1.600000000e+01, v21  }
0x181: {  	vm6 =	vlt.s32 v3, $0x4;
	v4 =	vmul.f32 $1.600000000e+01, v4  }
0x182: {  	vm1 =	vlt.s32 v3, $0x2;
	v2 =	vsel vm6, v5, v2  }
0x183: {  	s19 =	simm.s32 $0x5540;
	v2 =	vsel vm1, v4, v2  }
0x184: {  	[tilespmem:s19+$0xFFFFFFC0] =	vst v2  }
0x185: {  	s21 =	simm.s32 $0x10;
	v2 =	vld [tilespmem:s20+$0xFFFFFFD0]  }
0x186: {  	v3 =	vor.u32 s21, v0  }
0x187: {  	v22 =	vcvt.s32.f32 v3;
	_ =	sdelay $0x1  }
0x188: {  	v4 =	vadd.f32 $5.000000000e-01, v22  }
0x189: {  	v23 =	vmul.f32 $1.442695020e+00, v2  }
0x18a: {  	v4 =	vmul.f32 $1.176470610e-02, v4  }
0x18b: {  	(erf) = vpow2.f32 v23  }
0x18c: {  	v4 =	vtrunc.f32 v4  }
0x18d: {  	v4 =	vcvt.f32.s32 v4;
	_ =	sdelay $0x1  }
0x18e: {  	v24 =	vmul.u32 $0xFFFFFFAB, v4;
	v25 =	vadd.s32 v4, v1  }
0x18f: {  	v4 =	vand.u32 $0x1F, v4;
	v6 =	vshra.s32 v25, $0x5  }
0x190: {  	v4 =	vcvt.s32.f32 v4;
	v3 =	vadd.s32 v3, v24;
	v26 =	vcvt.s32.f32 v6  }
0x191: {  	vm7 =	veq.s32 v3, $0x0  }
0x192: {  	v4 =	vsel vm7, v4, v26  }
0x193: {  	v4 =	vadd.f32 v2, v4;
	v27 =	vpop (erf)  }
0x194: {  	v5 =	vmul.f32 $1.600000000e+01, v27  }
0x195: {  	vm8 =	vlt.s32 v3, $0x4;
	v4 =	vmul.f32 $1.600000000e+01, v4  }
0x196: {  	vm9 =	vlt.s32 v3, $0x2;
	v2 =	vsel vm8, v5, v2  }
0x197: {  	v2 =	vsel vm9, v4, v2  }
0x198: {  	[tilespmem:s19+$0xFFFFFFD0] =	vst v2  }
0x199: {  	s25 =	simm.s32 $0x20;
	v2 =	vld [tilespmem:s20+$0xFFFFFFE0]  }
0x19a: {  	v3 =	vor.u32 s25, v0  }
0x19b: {  	v28 =	vcvt.s32.f32 v3;
	_ =	sdelay $0x1  }
0x19c: {  	v4 =	vadd.f32 $5.000000000e-01, v28  }
0x19d: {  	v29 =	vmul.f32 $1.442695020e+00, v2  }
0x19e: {  	v4 =	vmul.f32 $1.176470610e-02, v4  }
0x19f: {  	(erf) = vpow2.f32 v29  }
0x1a0: {  	v4 =	vtrunc.f32 v4  }
0x1a1: {  	v4 =	vcvt.f32.s32 v4;
	_ =	sdelay $0x1  }
0x1a2: {  	v30 =	vmul.u32 $0xFFFFFFAB, v4;
	v31 =	vadd.s32 v4, v1  }
0x1a3: {  	v4 =	vand.u32 $0x1F, v4;
	v6 =	vshra.s32 v31, $0x5  }
0x1a4: {  	v4 =	vcvt.s32.f32 v4;
	v3 =	vadd.s32 v3, v30;
	v32 =	vcvt.s32.f32 v6  }
0x1a5: {  	vm10 =	veq.s32 v3, $0x0  }
0x1a6: {  	v4 =	vsel vm10, v4, v32  }
0x1a7: {  	v4 =	vadd.f32 v2, v4;
	v33 =	vpop (erf)  }
0x1a8: {  	v5 =	vmul.f32 $1.600000000e+01, v33  }
0x1a9: {  	vm11 =	vlt.s32 v3, $0x4;
	v4 =	vmul.f32 $1.600000000e+01, v4  }
0x1aa: {  	vm12 =	vlt.s32 v3, $0x2;
	v2 =	vsel vm11, v5, v2  }
0x1ab: {  	v2 =	vsel vm12, v4, v2  }
0x1ac: {  	[tilespmem:s19+$0xFFFFFFE0] =	vst v2  }
0x1ad: {  	s26 =	simm.s32 $0x30;
	v2 =	vld [tilespmem:s20+$0xFFFFFFF0]  }
0x1ae: {  	v3 =	vor.u32 s26, v0  }
0x1af: {  	v34 =	vcvt.s32.f32 v3;
	_ =	sdelay $0x1  }
0x1b0: {  	v4 =	vadd.f32 $5.000000000e-01, v34  }
0x1b1: {  	v35 =	vmul.f32 $1.442695020e+00, v2  }
0x1b2: {  	v4 =	vmul.f32 $1.176470610e-02, v4  }
0x1b3: {  	(erf) = vpow2.f32 v35  }
0x1b4: {  	v4 =	vtrunc.f32 v4  }
0x1b5: {  	v4 =	vcvt.f32.s32 v4;
	_ =	sdelay $0x1  }
0x1b6: {  	v36 =	vmul.u32 $0xFFFFFFAB, v4;
	v37 =	vadd.s32 v4, v1  }
0x1b7: {  	v4 =	vand.u32 $0x1F, v4;
	v6 =	vshra.s32 v37, $0x5  }
0x1b8: {  	v4 =	vcvt.s32.f32 v4;
	v3 =	vadd.s32 v3, v36;
	v38 =	vcvt.s32.f32 v6  }
0x1b9: {  	vm13 =	veq.s32 v3, $0x0  }
0x1ba: {  	v4 =	vsel vm13, v4, v38  }
0x1bb: {  	v4 =	vadd.f32 v2, v4;
	v39 =	vpop (erf)  }
0x1bc: {  	v5 =	vmul.f32 $1.600000000e+01, v39  }
0x1bd: {  	vm14 =	vlt.s32 v3, $0x4;
	v4 =	vmul.f32 $1.600000000e+01, v4  }
0x1be: {  	vm15 =	vlt.s32 v3, $0x2;
	v2 =	vsel vm14, v5, v2  }
0x1bf: {  	v2 =	vsel vm15, v4, v2  }
0x1c0: {  	[tilespmem:s19+$0xFFFFFFF0] =	vst v2  }
0x1c1: {  	s28 =	simm.s32 $0x40;
	v2 =	vld [tilespmem:s20+$0x0]  }
0x1c2: {  	v3 =	vor.u32 s28, v0  }
0x1c3: {  	v40 =	vcvt.s32.f32 v3;
	_ =	sdelay $0x1  }
0x1c4: {  	v4 =	vadd.f32 $5.000000000e-01, v40  }
0x1c5: {  	v41 =	vmul.f32 $1.442695020e+00, v2  }
0x1c6: {  	v4 =	vmul.f32 $1.176470610e-02, v4  }
0x1c7: {  	(erf) = vpow2.f32 v41  }
0x1c8: {  	v4 =	vtrunc.f32 v4  }
0x1c9: {  	v4 =	vcvt.f32.s32 v4;
	_ =	sdelay $0x1  }
0x1ca: {  	v42 =	vmul.u32 $0xFFFFFFAB, v4;
	v43 =	vadd.s32 v4, v1  }
0x1cb: {  	v4 =	vand.u32 $0x1F, v4;
	v6 =	vshra.s32 v43, $0x5  }
0x1cc: {  	v4 =	vcvt.s32.f32 v4;
	v3 =	vadd.s32 v3, v42;
	v44 =	vcvt.s32.f32 v6  }
0x1cd: {  	vm4 =	veq.s32 v3, $0x0  }
0x1ce: {  	v4 =	vsel vm4, v4, v44  }
0x1cf: {  	v4 =	vadd.f32 v2, v4;
	v45 =	vpop (erf)  }
0x1d0: {  	v5 =	vmul.f32 $1.600000000e+01, v45  }
0x1d1: {  	vm5 =	vlt.s32 v3, $0x4;
	v4 =	vmul.f32 $1.600000000e+01, v4  }
0x1d2: {  	vm6 =	vlt.s32 v3, $0x2;
	v2 =	vsel vm5, v5, v2  }
0x1d3: {  	v2 =	vsel vm6, v4, v2  }
0x1d4: {  	[tilespmem:s19+$0x0] =	vst v2  }
0x1d5: {  	s29 =	simm.s32 $0x50;
	v2 =	vld [tilespmem:s20+$0x10]  }
0x1d6: {  	v3 =	vor.u32 s29, v0  }
0x1d7: {  	v46 =	vcvt.s32.f32 v3;
	_ =	sdelay $0x1  }
0x1d8: {  	v4 =	vadd.f32 $5.000000000e-01, v46  }
0x1d9: {  	v47 =	vmul.f32 $1.442695020e+00, v2  }
0x1da: {  	v4 =	vmul.f32 $1.176470610e-02, v4  }
0x1db: {  	(erf) = vpow2.f32 v47  }
0x1dc: {  	v4 =	vtrunc.f32 v4  }
0x1dd: {  	v4 =	vcvt.f32.s32 v4;
	_ =	sdelay $0x1  }
0x1de: {  	v48 =	vmul.u32 $0xFFFFFFAB, v4;
	v49 =	vadd.s32 v4, v1  }
0x1df: {  	v4 =	vand.u32 $0x1F, v4;
	v6 =	vshra.s32 v49, $0x5  }
0x1e0: {  	v4 =	vcvt.s32.f32 v4;
	v3 =	vadd.s32 v3, v48;
	v50 =	vcvt.s32.f32 v6  }
0x1e1: {  	vm7 =	veq.s32 v3, $0x0  }
0x1e2: {  	v4 =	vsel vm7, v4, v50  }
0x1e3: {  	v4 =	vadd.f32 v2, v4;
	v51 =	vpop (erf)  }
0x1e4: {  	v5 =	vmul.f32 $1.600000000e+01, v51  }
0x1e5: {  	vm8 =	vlt.s32 v3, $0x4;
	v4 =	vmul.f32 $1.600000000e+01, v4  }
0x1e6: {  	vm9 =	vlt.s32 v3, $0x2;
	v2 =	vsel vm8, v5, v2  }
0x1e7: {  	v2 =	vsel vm9, v4, v2  }
0x1e8: {  	[tilespmem:s19+$0x10] =	vst v2  }
0x1e9: {  	s30 =	simm.s32 $0x60;
	v2 =	vld [tilespmem:s20+$0x20]  }
0x1ea: {  	v3 =	vor.u32 s30, v0  }
0x1eb: {  	v52 =	vcvt.s32.f32 v3;
	_ =	sdelay $0x1  }
0x1ec: {  	v4 =	vadd.f32 $5.000000000e-01, v52  }
0x1ed: {  	v53 =	vmul.f32 $1.442695020e+00, v2  }
0x1ee: {  	v4 =	vmul.f32 $1.176470610e-02, v4  }
0x1ef: {  	(erf) = vpow2.f32 v53  }
0x1f0: {  	v4 =	vtrunc.f32 v4  }
0x1f1: {  	v4 =	vcvt.f32.s32 v4;
	_ =	sdelay $0x1  }
0x1f2: {  	v54 =	vmul.u32 $0xFFFFFFAB, v4;
	v55 =	vadd.s32 v4, v1  }
0x1f3: {  	v4 =	vand.u32 $0x1F, v4;
	v6 =	vshra.s32 v55, $0x5  }
0x1f4: {  	v4 =	vcvt.s32.f32 v4;
	v3 =	vadd.s32 v3, v54;
	v56 =	vcvt.s32.f32 v6  }
0x1f5: {  	vm10 =	veq.s32 v3, $0x0  }
0x1f6: {  	v4 =	vsel vm10, v4, v56  }
0x1f7: {  	v4 =	vadd.f32 v2, v4;
	v57 =	vpop (erf)  }
0x1f8: {  	v5 =	vmul.f32 $1.600000000e+01, v57  }
0x1f9: {  	vm11 =	vlt.s32 v3, $0x4;
	v4 =	vmul.f32 $1.600000000e+01, v4  }
0x1fa: {  	vm12 =	vlt.s32 v3, $0x2;
	v2 =	vsel vm11, v5, v2  }
0x1fb: {  	v2 =	vsel vm12, v4, v2  }
0x1fc: {  	[tilespmem:s19+$0x20] =	vst v2  }
0x1fd: {  	s31 =	simm.s32 $0x70;
	v2 =	vld [tilespmem:s20+$0x30]  }
0x1fe: {  	v3 =	vor.u32 s31, v0  }
0x1ff: {  	v58 =	vcvt.s32.f32 v3;
	_ =	sdelay $0x1  }
0x200: {  	v4 =	vadd.f32 $5.000000000e-01, v58  }
0x201: {  	v59 =	vmul.f32 $1.442695020e+00, v2  }
0x202: {  	v4 =	vmul.f32 $1.176470610e-02, v4  }
0x203: {  	(erf) = vpow2.f32 v59  }
0x204: {  	v4 =	vtrunc.f32 v4  }
0x205: {  	v4 =	vcvt.f32.s32 v4;
	_ =	sdelay $0x1  }
0x206: {  	v60 =	vmul.u32 $0xFFFFFFAB, v4;
	v61 =	vadd.s32 v4, v1  }
0x207: {  	v4 =	vand.u32 $0x1F, v4;
	v6 =	vshra.s32 v61, $0x5  }
0x208: {  	v4 =	vcvt.s32.f32 v4;
	v3 =	vadd.s32 v3, v60;
	v62 =	vcvt.s32.f32 v6  }
0x209: {  	vm13 =	veq.s32 v3, $0x0  }
0x20a: {  	v4 =	vsel vm13, v4, v62  }
0x20b: {  	v4 =	vadd.f32 v2, v4;
	v63 =	vpop (erf)  }
0x20c: {  	v5 =	vmul.f32 $1.600000000e+01, v63  }
0x20d: {  	vm14 =	vlt.s32 v3, $0x4;
	v4 =	vmul.f32 $1.600000000e+01, v4  }
0x20e: {  	vm15 =	vlt.s32 v3, $0x2;
	v2 =	vsel vm14, v5, v2  }
0x20f: {  	v2 =	vsel vm15, v4, v2  }
0x210: {  	s22 =	simm.s32 $0xC0;
	s21 =	simm.s32 $0xF0;
	s20 =	simm.s32 $0x0;
	[tilespmem:s19+$0x30] =	vst v2  }
.LBB2_7:
0x211: {  	s23 =	sadd.s32 $0xFFFFFF90, s21;
	v2 =	vld [tilespmem:s22+$0xFFFFFFC0];
	s20 =	sadd.s32 $0x8, s20  }
0x212: {  	v3 =	vor.u32 s23, v0;
	p1 =	slt.u32 s20, $0x548  }
0x213: {  	v4 =	vcvt.s32.f32 v3;
	_ =	sdelay $0x1  }
0x214: {  	v4 =	vadd.f32 $5.000000000e-01, v4  }
0x215: {  	v5 =	vmul.f32 $1.442695020e+00, v2  }
0x216: {  	v4 =	vmul.f32 $1.176470610e-02, v4  }
0x217: {  	(erf) = vpow2.f32 v5  }
0x218: {  	v4 =	vtrunc.f32 v4  }
0x219: {  	v4 =	vcvt.f32.s32 v4;
	_ =	sdelay $0x1  }
0x21a: {  	v5 =	vmul.u32 $0xFFFFFFAB, v4;
	v6 =	vadd.s32 v4, v1  }
0x21b: {  	v4 =	vand.u32 $0x1F, v4;
	v6 =	vshra.s32 v6, $0x5  }
0x21c: {  	v4 =	vcvt.s32.f32 v4;
	v3 =	vadd.s32 v3, v5;
	v6 =	vcvt.s32.f32 v6  }
0x21d: {  	vm0 =	veq.s32 v3, $0x0  }
0x21e: {  	v4 =	vsel vm0, v4, v6  }
0x21f: {  	v4 =	vadd.f32 v2, v4;
	v5 =	vpop (erf)  }
0x220: {  	v5 =	vmul.f32 $1.600000000e+01, v5  }
0x221: {  	vm0 =	vlt.s32 v3, $0x4;
	v4 =	vmul.f32 $1.600000000e+01, v4  }
0x222: {  	vm1 =	vlt.s32 v3, $0x2;
	v2 =	vsel vm0, v5, v2  }
0x223: {  	s19 =	sadd.s32 $0x80, s19;
	v2 =	vsel vm1, v4, v2  }
0x224: {  	[tilespmem:s19+$0xFFFFFFC0] =	vst v2  }
0x225: {  	s23 =	sadd.s32 $0xFFFFFFA0, s21;
	v2 =	vld [tilespmem:s22+$0xFFFFFFD0]  }
0x226: {  	v3 =	vor.u32 s23, v0  }
0x227: {  	v4 =	vcvt.s32.f32 v3;
	_ =	sdelay $0x1  }
0x228: {  	v4 =	vadd.f32 $5.000000000e-01, v4  }
0x229: {  	v5 =	vmul.f32 $1.442695020e+00, v2  }
0x22a: {  	v4 =	vmul.f32 $1.176470610e-02, v4  }
0x22b: {  	(erf) = vpow2.f32 v5  }
0x22c: {  	v4 =	vtrunc.f32 v4  }
0x22d: {  	v4 =	vcvt.f32.s32 v4;
	_ =	sdelay $0x1  }
0x22e: {  	v5 =	vmul.u32 $0xFFFFFFAB, v4;
	v6 =	vadd.s32 v4, v1  }
0x22f: {  	v4 =	vand.u32 $0x1F, v4;
	v6 =	vshra.s32 v6, $0x5  }
0x230: {  	v4 =	vcvt.s32.f32 v4;
	v3 =	vadd.s32 v3, v5;
	v6 =	vcvt.s32.f32 v6  }
0x231: {  	vm0 =	veq.s32 v3, $0x0  }
0x232: {  	v4 =	vsel vm0, v4, v6  }
0x233: {  	v4 =	vadd.f32 v2, v4;
	v5 =	vpop (erf)  }
0x234: {  	v5 =	vmul.f32 $1.600000000e+01, v5  }
0x235: {  	vm0 =	vlt.s32 v3, $0x4;
	v4 =	vmul.f32 $1.600000000e+01, v4  }
0x236: {  	vm1 =	vlt.s32 v3, $0x2;
	v2 =	vsel vm0, v5, v2  }
0x237: {  	v2 =	vsel vm1, v4, v2  }
0x238: {  	[tilespmem:s19+$0xFFFFFFD0] =	vst v2  }
0x239: {  	s23 =	sadd.s32 $0xFFFFFFB0, s21;
	v2 =	vld [tilespmem:s22+$0xFFFFFFE0]  }
0x23a: {  	v3 =	vor.u32 s23, v0  }
0x23b: {  	v4 =	vcvt.s32.f32 v3;
	_ =	sdelay $0x1  }
0x23c: {  	v4 =	vadd.f32 $5.000000000e-01, v4  }
0x23d: {  	v5 =	vmul.f32 $1.442695020e+00, v2  }
0x23e: {  	v4 =	vmul.f32 $1.176470610e-02, v4  }
0x23f: {  	(erf) = vpow2.f32 v5  }
0x240: {  	v4 =	vtrunc.f32 v4  }
0x241: {  	v4 =	vcvt.f32.s32 v4;
	_ =	sdelay $0x1  }
0x242: {  	v5 =	vmul.u32 $0xFFFFFFAB, v4;
	v6 =	vadd.s32 v4, v1  }
0x243: {  	v4 =	vand.u32 $0x1F, v4;
	v6 =	vshra.s32 v6, $0x5  }
0x244: {  	v4 =	vcvt.s32.f32 v4;
	v3 =	vadd.s32 v3, v5;
	v6 =	vcvt.s32.f32 v6  }
0x245: {  	vm0 =	veq.s32 v3, $0x0  }
0x246: {  	v4 =	vsel vm0, v4, v6  }
0x247: {  	v4 =	vadd.f32 v2, v4;
	v5 =	vpop (erf)  }
0x248: {  	v5 =	vmul.f32 $1.600000000e+01, v5  }
0x249: {  	vm0 =	vlt.s32 v3, $0x4;
	v4 =	vmul.f32 $1.600000000e+01, v4  }
0x24a: {  	vm1 =	vlt.s32 v3, $0x2;
	v2 =	vsel vm0, v5, v2  }
0x24b: {  	v2 =	vsel vm1, v4, v2  }
0x24c: {  	[tilespmem:s19+$0xFFFFFFE0] =	vst v2  }
0x24d: {  	s23 =	sadd.s32 $0xFFFFFFC0, s21;
	v2 =	vld [tilespmem:s22+$0xFFFFFFF0]  }
0x24e: {  	v3 =	vor.u32 s23, v0  }
0x24f: {  	v4 =	vcvt.s32.f32 v3;
	_ =	sdelay $0x1  }
0x250: {  	v4 =	vadd.f32 $5.000000000e-01, v4  }
0x251: {  	v5 =	vmul.f32 $1.442695020e+00, v2  }
0x252: {  	v4 =	vmul.f32 $1.176470610e-02, v4  }
0x253: {  	(erf) = vpow2.f32 v5  }
0x254: {  	v4 =	vtrunc.f32 v4  }
0x255: {  	v4 =	vcvt.f32.s32 v4;
	_ =	sdelay $0x1  }
0x256: {  	v5 =	vmul.u32 $0xFFFFFFAB, v4;
	v6 =	vadd.s32 v4, v1  }
0x257: {  	v4 =	vand.u32 $0x1F, v4;
	v6 =	vshra.s32 v6, $0x5  }
0x258: {  	v4 =	vcvt.s32.f32 v4;
	v3 =	vadd.s32 v3, v5;
	v6 =	vcvt.s32.f32 v6  }
0x259: {  	vm0 =	veq.s32 v3, $0x0  }
0x25a: {  	v4 =	vsel vm0, v4, v6  }
0x25b: {  	v4 =	vadd.f32 v2, v4;
	v5 =	vpop (erf)  }
0x25c: {  	v5 =	vmul.f32 $1.600000000e+01, v5  }
0x25d: {  	vm0 =	vlt.s32 v3, $0x4;
	v4 =	vmul.f32 $1.600000000e+01, v4  }
0x25e: {  	vm1 =	vlt.s32 v3, $0x2;
	v2 =	vsel vm0, v5, v2  }
0x25f: {  	v2 =	vsel vm1, v4, v2  }
0x260: {  	[tilespmem:s19+$0xFFFFFFF0] =	vst v2  }
0x261: {  	s23 =	sadd.s32 $0xFFFFFFD0, s21;
	v2 =	vld [tilespmem:s22+$0x0]  }
0x262: {  	v3 =	vor.u32 s23, v0  }
0x263: {  	v4 =	vcvt.s32.f32 v3;
	_ =	sdelay $0x1  }
0x264: {  	v4 =	vadd.f32 $5.000000000e-01, v4  }
0x265: {  	v5 =	vmul.f32 $1.442695020e+00, v2  }
0x266: {  	v4 =	vmul.f32 $1.176470610e-02, v4  }
0x267: {  	(erf) = vpow2.f32 v5  }
0x268: {  	v4 =	vtrunc.f32 v4  }
0x269: {  	v4 =	vcvt.f32.s32 v4;
	_ =	sdelay $0x1  }
0x26a: {  	v5 =	vmul.u32 $0xFFFFFFAB, v4;
	v6 =	vadd.s32 v4, v1  }
0x26b: {  	v4 =	vand.u32 $0x1F, v4;
	v6 =	vshra.s32 v6, $0x5  }
0x26c: {  	v4 =	vcvt.s32.f32 v4;
	v3 =	vadd.s32 v3, v5;
	v6 =	vcvt.s32.f32 v6  }
0x26d: {  	vm0 =	veq.s32 v3, $0x0  }
0x26e: {  	v4 =	vsel vm0, v4, v6  }
0x26f: {  	v4 =	vadd.f32 v2, v4;
	v5 =	vpop (erf)  }
0x270: {  	v5 =	vmul.f32 $1.600000000e+01, v5  }
0x271: {  	vm0 =	vlt.s32 v3, $0x4;
	v4 =	vmul.f32 $1.600000000e+01, v4  }
0x272: {  	vm1 =	vlt.s32 v3, $0x2;
	v2 =	vsel vm0, v5, v2  }
0x273: {  	v2 =	vsel vm1, v4, v2  }
0x274: {  	[tilespmem:s19+$0x0] =	vst v2  }
0x275: {  	s23 =	sadd.s32 $0xFFFFFFE0, s21;
	v2 =	vld [tilespmem:s22+$0x10]  }
0x276: {  	v3 =	vor.u32 s23, v0  }
0x277: {  	v4 =	vcvt.s32.f32 v3;
	_ =	sdelay $0x1  }
0x278: {  	v4 =	vadd.f32 $5.000000000e-01, v4  }
0x279: {  	v5 =	vmul.f32 $1.442695020e+00, v2  }
0x27a: {  	v4 =	vmul.f32 $1.176470610e-02, v4  }
0x27b: {  	(erf) = vpow2.f32 v5  }
0x27c: {  	v4 =	vtrunc.f32 v4  }
0x27d: {  	v4 =	vcvt.f32.s32 v4;
	_ =	sdelay $0x1  }
0x27e: {  	v5 =	vmul.u32 $0xFFFFFFAB, v4;
	v6 =	vadd.s32 v4, v1  }
0x27f: {  	v4 =	vand.u32 $0x1F, v4;
	v6 =	vshra.s32 v6, $0x5  }
0x280: {  	v4 =	vcvt.s32.f32 v4;
	v3 =	vadd.s32 v3, v5;
	v6 =	vcvt.s32.f32 v6  }
0x281: {  	vm0 =	veq.s32 v3, $0x0  }
0x282: {  	v4 =	vsel vm0, v4, v6  }
0x283: {  	v4 =	vadd.f32 v2, v4;
	v5 =	vpop (erf)  }
0x284: {  	v5 =	vmul.f32 $1.600000000e+01, v5  }
0x285: {  	vm0 =	vlt.s32 v3, $0x4;
	v4 =	vmul.f32 $1.600000000e+01, v4  }
0x286: {  	vm1 =	vlt.s32 v3, $0x2;
	v2 =	vsel vm0, v5, v2  }
0x287: {  	v2 =	vsel vm1, v4, v2  }
0x288: {  	[tilespmem:s19+$0x10] =	vst v2  }
0x289: {  	s23 =	sadd.s32 $0xFFFFFFF0, s21;
	v2 =	vld [tilespmem:s22+$0x20]  }
0x28a: {  	v3 =	vor.u32 s23, v0  }
0x28b: {  	v4 =	vcvt.s32.f32 v3;
	_ =	sdelay $0x1  }
0x28c: {  	v4 =	vadd.f32 $5.000000000e-01, v4  }
0x28d: {  	v5 =	vmul.f32 $1.442695020e+00, v2  }
0x28e: {  	v4 =	vmul.f32 $1.176470610e-02, v4  }
0x28f: {  	(erf) = vpow2.f32 v5  }
0x290: {  	v4 =	vtrunc.f32 v4  }
0x291: {  	v4 =	vcvt.f32.s32 v4;
	_ =	sdelay $0x1  }
0x292: {  	v5 =	vmul.u32 $0xFFFFFFAB, v4;
	v6 =	vadd.s32 v4, v1  }
0x293: {  	v4 =	vand.u32 $0x1F, v4;
	v6 =	vshra.s32 v6, $0x5  }
0x294: {  	v4 =	vcvt.s32.f32 v4;
	v3 =	vadd.s32 v3, v5;
	v6 =	vcvt.s32.f32 v6  }
0x295: {  	vm0 =	veq.s32 v3, $0x0  }
0x296: {  	v4 =	vsel vm0, v4, v6  }
0x297: {  	v4 =	vadd.f32 v2, v4;
	v5 =	vpop (erf)  }
0x298: {  	v5 =	vmul.f32 $1.600000000e+01, v5  }
0x299: {  	vm0 =	vlt.s32 v3, $0x4;
	v4 =	vmul.f32 $1.600000000e+01, v4  }
0x29a: {  	vm1 =	vlt.s32 v3, $0x2;
	v2 =	vsel vm0, v5, v2  }
0x29b: {  	v2 =	vsel vm1, v4, v2  }
0x29c: {  	[tilespmem:s19+$0x20] =	vst v2  }
0x29d: {  	v2 =	vld [tilespmem:s22+$0x30]  }
0x29e: {  	v3 =	vor.u32 s21, v0  }
0x29f: {  	v4 =	vcvt.s32.f32 v3;
	_ =	sdelay $0x1  }
0x2a0: {  	v4 =	vadd.f32 $5.000000000e-01, v4  }
0x2a1: {  	v5 =	vmul.f32 $1.442695020e+00, v2  }
0x2a2: {  	v4 =	vmul.f32 $1.176470610e-02, v4  }
0x2a3: {  	(erf) = vpow2.f32 v5  }
0x2a4: {  	v4 =	vtrunc.f32 v4  }
0x2a5: {  	v4 =	vcvt.f32.s32 v4;
	_ =	sdelay $0x1  }
0x2a6: {  	v5 =	vmul.u32 $0xFFFFFFAB, v4;
	v6 =	vadd.s32 v4, v1  }
0x2a7: {  	v4 =	vand.u32 $0x1F, v4;
	v6 =	vshra.s32 v6, $0x5  }
0x2a8: {  	v4 =	vcvt.s32.f32 v4;
	v3 =	vadd.s32 v3, v5;
	v6 =	vcvt.s32.f32 v6  }
0x2a9: {  	vm0 =	veq.s32 v3, $0x0  }
0x2aa: {  	v4 =	vsel vm0, v4, v6  }
0x2ab: {  	v4 =	vadd.f32 v2, v4;
	v5 =	vpop (erf)  }
.Ltmp5:
0x2ac: {  	v5 =	vmul.f32 $1.600000000e+01, v5;
	(pc) =	sbr.rel @p1 .LBB2_7-.Ltmp5, $4  }
0x2ad: {  	vm0 =	vlt.s32 v3, $0x4;
	v4 =	vmul.f32 $1.600000000e+01, v4  }
0x2ae: {  	vm1 =	vlt.s32 v3, $0x2;
	v2 =	vsel vm0, v5, v2  }
0x2af: {  	v2 =	vsel vm1, v4, v2  }
0x2b0: {  	s21 =	sadd.s32 $0x80, s21;
	s22 =	sadd.s32 $0x80, s22;
	[tilespmem:s19+$0x30] =	vst v2  }
0x2b1: {  	s18 =	sadd.s32 s18, s11  }
0x2b2: {  	s17 =	sadd.s32 $0x1, s17;
	s18 =	sshrl.u32 s18, $0x3  }
0x2b3: {  	p1 =	seq.s32 s17, $0x4;
	s18 =	sadd.s32 s2, s18  }
0x2b4: {  	[hbm4b:s18+s3] =	stream.linear.scatter [tilespmem:s15], [sflag:$0x1], $0x5500, $0x38;
	[tilespmem:$0xAA00] =	vst v63  }
.Ltmp6:
0x2b5: {  	_ = 	snop;
	(pc) =	sbr.rel @!p1 .LBB2_6-.Ltmp6, $4  }
.Ltmp7:
0x2b6: {  	_ = 	snop;
	(pc) =	sbr.rel @p1 .LBB2_12-.Ltmp7, $4  }
0x2b7: {  	_ =	swait.ge [sflag:s14], $0x5500  }
0x2b8: {  	[sflag:s14] =	ssyncset.done $0x0  }
0x2b9: {  	[sflag:s14] =	ssyncadd.s32 $0xFFFFAB00  }
0x2ba: {  	_ = 	snop  }
.LBB2_9:
0x2bb: {  	[tilespmem:s3], [sflag:$0x1] =	stream.linear.gather [hbm4b:s9+s3], $0x5500, $0x38;
	[tilespmem:$0xAA00] =	vst v63  }
0x2bc: {  	_ =	swait.ge [sflag:s14], $0x5500  }
0x2bd: {  	[sflag:s14] =	ssyncset.done $0x0  }
0x2be: {  	s18 =	simm.s32 $0x40;
	[sflag:s14] =	ssyncadd.s32 $0xFFFFAB00  }
0x2bf: {  	s17 =	simm.s32 $0x0;
	v1 =	vld [tilespmem:s18+$0xFFFFFFC0]  }
0x2c0: {  	v2 =	vor.u32 s17, v0  }
0x2c1: {  	v3 =	vcvt.s32.f32 v2;
	_ =	sdelay $0x1  }
0x2c2: {  	v3 =	vadd.f32 $5.000000000e-01, v3  }
0x2c3: {  	v4 =	vmul.f32 $1.442695020e+00, v1  }
0x2c4: {  	v3 =	vmul.f32 $1.176470610e-02, v3  }
0x2c5: {  	(erf) = vpow2.f32 v4  }
0x2c6: {  	v3 =	vtrunc.f32 v3  }
0x2c7: {  	v3 =	vcvt.f32.s32 v3;
	_ =	sdelay $0x1  }
0x2c8: {  	v26 =	vmul.u32 $0xFFFFFFAB, v3  }
0x2c9: {  	v5 =	vand.u32 $0xF, v3;
	v3 =	vshra.s32 v3, $0x4  }
0x2ca: {  	v27 =	vcvt.s32.f32 v5;
	v3 =	vcvt.s32.f32 v3;
	v2 =	vadd.s32 v2, v26  }
0x2cb: {  	vm0 =	veq.s32 v2, $0x0  }
0x2cc: {  	v3 =	vsel vm0, v27, v3  }
0x2cd: {  	v3 =	vadd.f32 v1, v3;
	v28 =	vpop (erf)  }
0x2ce: {  	v4 =	vmul.f32 $3.200000000e+01, v28  }
0x2cf: {  	vm6 =	vlt.s32 v2, $0x4;
	v3 =	vmul.f32 $3.200000000e+01, v3  }
0x2d0: {  	vm1 =	vlt.s32 v2, $0x2;
	v1 =	vsel vm6, v4, v1  }
0x2d1: {  	s17 =	simm.s32 $0x5540;
	v1 =	vsel vm1, v3, v1  }
0x2d2: {  	[tilespmem:s17+$0xFFFFFFC0] =	vst v1  }
0x2d3: {  	s19 =	simm.s32 $0x10;
	v1 =	vld [tilespmem:s18+$0xFFFFFFD0]  }
0x2d4: {  	v2 =	vor.u32 s19, v0  }
0x2d5: {  	v3 =	vcvt.s32.f32 v2;
	_ =	sdelay $0x1  }
0x2d6: {  	v3 =	vadd.f32 $5.000000000e-01, v3  }
0x2d7: {  	v29 =	vmul.f32 $1.442695020e+00, v1  }
0x2d8: {  	v3 =	vmul.f32 $1.176470610e-02, v3  }
0x2d9: {  	(erf) = vpow2.f32 v29  }
0x2da: {  	v3 =	vtrunc.f32 v3  }
0x2db: {  	v3 =	vcvt.f32.s32 v3;
	_ =	sdelay $0x1  }
0x2dc: {  	v30 =	vmul.u32 $0xFFFFFFAB, v3  }
0x2dd: {  	v31 =	vand.u32 $0xF, v3;
	v3 =	vshra.s32 v3, $0x4  }
0x2de: {  	v32 =	vcvt.s32.f32 v31;
	v3 =	vcvt.s32.f32 v3;
	v2 =	vadd.s32 v2, v30  }
0x2df: {  	vm7 =	veq.s32 v2, $0x0  }
0x2e0: {  	v3 =	vsel vm7, v32, v3  }
0x2e1: {  	v3 =	vadd.f32 v1, v3;
	v33 =	vpop (erf)  }
0x2e2: {  	v4 =	vmul.f32 $3.200000000e+01, v33  }
0x2e3: {  	vm8 =	vlt.s32 v2, $0x4;
	v3 =	vmul.f32 $3.200000000e+01, v3  }
0x2e4: {  	vm9 =	vlt.s32 v2, $0x2;
	v1 =	vsel vm8, v4, v1  }
0x2e5: {  	v1 =	vsel vm9, v3, v1  }
0x2e6: {  	[tilespmem:s17+$0xFFFFFFD0] =	vst v1  }
0x2e7: {  	s25 =	simm.s32 $0x20;
	v1 =	vld [tilespmem:s18+$0xFFFFFFE0]  }
0x2e8: {  	v2 =	vor.u32 s25, v0  }
0x2e9: {  	v3 =	vcvt.s32.f32 v2;
	_ =	sdelay $0x1  }
0x2ea: {  	v3 =	vadd.f32 $5.000000000e-01, v3  }
0x2eb: {  	v34 =	vmul.f32 $1.442695020e+00, v1  }
0x2ec: {  	v3 =	vmul.f32 $1.176470610e-02, v3  }
0x2ed: {  	(erf) = vpow2.f32 v34  }
0x2ee: {  	v3 =	vtrunc.f32 v3  }
0x2ef: {  	v3 =	vcvt.f32.s32 v3;
	_ =	sdelay $0x1  }
0x2f0: {  	v35 =	vmul.u32 $0xFFFFFFAB, v3  }
0x2f1: {  	v36 =	vand.u32 $0xF, v3;
	v3 =	vshra.s32 v3, $0x4  }
0x2f2: {  	v37 =	vcvt.s32.f32 v36;
	v3 =	vcvt.s32.f32 v3;
	v2 =	vadd.s32 v2, v35  }
0x2f3: {  	vm10 =	veq.s32 v2, $0x0  }
0x2f4: {  	v3 =	vsel vm10, v37, v3  }
0x2f5: {  	v3 =	vadd.f32 v1, v3;
	v38 =	vpop (erf)  }
0x2f6: {  	v4 =	vmul.f32 $3.200000000e+01, v38  }
0x2f7: {  	vm11 =	vlt.s32 v2, $0x4;
	v3 =	vmul.f32 $3.200000000e+01, v3  }
0x2f8: {  	vm12 =	vlt.s32 v2, $0x2;
	v1 =	vsel vm11, v4, v1  }
0x2f9: {  	v1 =	vsel vm12, v3, v1  }
0x2fa: {  	[tilespmem:s17+$0xFFFFFFE0] =	vst v1  }
0x2fb: {  	s26 =	simm.s32 $0x30;
	v1 =	vld [tilespmem:s18+$0xFFFFFFF0]  }
0x2fc: {  	v2 =	vor.u32 s26, v0  }
0x2fd: {  	v3 =	vcvt.s32.f32 v2;
	_ =	sdelay $0x1  }
0x2fe: {  	v3 =	vadd.f32 $5.000000000e-01, v3  }
0x2ff: {  	v39 =	vmul.f32 $1.442695020e+00, v1  }
0x300: {  	v3 =	vmul.f32 $1.176470610e-02, v3  }
0x301: {  	(erf) = vpow2.f32 v39  }
0x302: {  	v3 =	vtrunc.f32 v3  }
0x303: {  	v3 =	vcvt.f32.s32 v3;
	_ =	sdelay $0x1  }
0x304: {  	v40 =	vmul.u32 $0xFFFFFFAB, v3  }
0x305: {  	v41 =	vand.u32 $0xF, v3;
	v3 =	vshra.s32 v3, $0x4  }
0x306: {  	v42 =	vcvt.s32.f32 v41;
	v3 =	vcvt.s32.f32 v3;
	v2 =	vadd.s32 v2, v40  }
0x307: {  	vm13 =	veq.s32 v2, $0x0  }
0x308: {  	v3 =	vsel vm13, v42, v3  }
0x309: {  	v3 =	vadd.f32 v1, v3;
	v43 =	vpop (erf)  }
0x30a: {  	v4 =	vmul.f32 $3.200000000e+01, v43  }
0x30b: {  	vm14 =	vlt.s32 v2, $0x4;
	v3 =	vmul.f32 $3.200000000e+01, v3  }
0x30c: {  	vm15 =	vlt.s32 v2, $0x2;
	v1 =	vsel vm14, v4, v1  }
0x30d: {  	v1 =	vsel vm15, v3, v1  }
0x30e: {  	[tilespmem:s17+$0xFFFFFFF0] =	vst v1  }
0x30f: {  	s28 =	simm.s32 $0x40;
	v1 =	vld [tilespmem:s18+$0x0]  }
0x310: {  	v2 =	vor.u32 s28, v0  }
0x311: {  	v3 =	vcvt.s32.f32 v2;
	_ =	sdelay $0x1  }
0x312: {  	v3 =	vadd.f32 $5.000000000e-01, v3  }
0x313: {  	v44 =	vmul.f32 $1.442695020e+00, v1  }
0x314: {  	v3 =	vmul.f32 $1.176470610e-02, v3  }
0x315: {  	(erf) = vpow2.f32 v44  }
0x316: {  	v3 =	vtrunc.f32 v3  }
0x317: {  	v3 =	vcvt.f32.s32 v3;
	_ =	sdelay $0x1  }
0x318: {  	v45 =	vmul.u32 $0xFFFFFFAB, v3  }
0x319: {  	v46 =	vand.u32 $0xF, v3;
	v3 =	vshra.s32 v3, $0x4  }
0x31a: {  	v47 =	vcvt.s32.f32 v46;
	v3 =	vcvt.s32.f32 v3;
	v2 =	vadd.s32 v2, v45  }
0x31b: {  	vm4 =	veq.s32 v2, $0x0  }
0x31c: {  	v3 =	vsel vm4, v47, v3  }
0x31d: {  	v3 =	vadd.f32 v1, v3;
	v48 =	vpop (erf)  }
0x31e: {  	v4 =	vmul.f32 $3.200000000e+01, v48  }
0x31f: {  	vm5 =	vlt.s32 v2, $0x4;
	v3 =	vmul.f32 $3.200000000e+01, v3  }
0x320: {  	vm6 =	vlt.s32 v2, $0x2;
	v1 =	vsel vm5, v4, v1  }
0x321: {  	v1 =	vsel vm6, v3, v1  }
0x322: {  	[tilespmem:s17+$0x0] =	vst v1  }
0x323: {  	s29 =	simm.s32 $0x50;
	v1 =	vld [tilespmem:s18+$0x10]  }
0x324: {  	v2 =	vor.u32 s29, v0  }
0x325: {  	v3 =	vcvt.s32.f32 v2;
	_ =	sdelay $0x1  }
0x326: {  	v3 =	vadd.f32 $5.000000000e-01, v3  }
0x327: {  	v49 =	vmul.f32 $1.442695020e+00, v1  }
0x328: {  	v3 =	vmul.f32 $1.176470610e-02, v3  }
0x329: {  	(erf) = vpow2.f32 v49  }
0x32a: {  	v3 =	vtrunc.f32 v3  }
0x32b: {  	v3 =	vcvt.f32.s32 v3;
	_ =	sdelay $0x1  }
0x32c: {  	v50 =	vmul.u32 $0xFFFFFFAB, v3  }
0x32d: {  	v51 =	vand.u32 $0xF, v3;
	v3 =	vshra.s32 v3, $0x4  }
0x32e: {  	v52 =	vcvt.s32.f32 v51;
	v3 =	vcvt.s32.f32 v3;
	v2 =	vadd.s32 v2, v50  }
0x32f: {  	vm7 =	veq.s32 v2, $0x0  }
0x330: {  	v3 =	vsel vm7, v52, v3  }
0x331: {  	v3 =	vadd.f32 v1, v3;
	v53 =	vpop (erf)  }
0x332: {  	v4 =	vmul.f32 $3.200000000e+01, v53  }
0x333: {  	vm8 =	vlt.s32 v2, $0x4;
	v3 =	vmul.f32 $3.200000000e+01, v3  }
0x334: {  	vm9 =	vlt.s32 v2, $0x2;
	v1 =	vsel vm8, v4, v1  }
0x335: {  	v1 =	vsel vm9, v3, v1  }
0x336: {  	[tilespmem:s17+$0x10] =	vst v1  }
0x337: {  	s30 =	simm.s32 $0x60;
	v1 =	vld [tilespmem:s18+$0x20]  }
0x338: {  	v2 =	vor.u32 s30, v0  }
0x339: {  	v3 =	vcvt.s32.f32 v2;
	_ =	sdelay $0x1  }
0x33a: {  	v3 =	vadd.f32 $5.000000000e-01, v3  }
0x33b: {  	v54 =	vmul.f32 $1.442695020e+00, v1  }
0x33c: {  	v3 =	vmul.f32 $1.176470610e-02, v3  }
0x33d: {  	(erf) = vpow2.f32 v54  }
0x33e: {  	v3 =	vtrunc.f32 v3  }
0x33f: {  	v3 =	vcvt.f32.s32 v3;
	_ =	sdelay $0x1  }
0x340: {  	v55 =	vmul.u32 $0xFFFFFFAB, v3  }
0x341: {  	v56 =	vand.u32 $0xF, v3;
	v3 =	vshra.s32 v3, $0x4  }
0x342: {  	v57 =	vcvt.s32.f32 v56;
	v3 =	vcvt.s32.f32 v3;
	v2 =	vadd.s32 v2, v55  }
0x343: {  	vm10 =	veq.s32 v2, $0x0  }
0x344: {  	v3 =	vsel vm10, v57, v3  }
0x345: {  	v3 =	vadd.f32 v1, v3;
	v58 =	vpop (erf)  }
0x346: {  	v4 =	vmul.f32 $3.200000000e+01, v58  }
0x347: {  	vm11 =	vlt.s32 v2, $0x4;
	v3 =	vmul.f32 $3.200000000e+01, v3  }
0x348: {  	vm12 =	vlt.s32 v2, $0x2;
	v1 =	vsel vm11, v4, v1  }
0x349: {  	v1 =	vsel vm12, v3, v1  }
0x34a: {  	[tilespmem:s17+$0x20] =	vst v1  }
0x34b: {  	s31 =	simm.s32 $0x70;
	v1 =	vld [tilespmem:s18+$0x30]  }
0x34c: {  	v2 =	vor.u32 s31, v0  }
0x34d: {  	v3 =	vcvt.s32.f32 v2;
	_ =	sdelay $0x1  }
0x34e: {  	v3 =	vadd.f32 $5.000000000e-01, v3  }
0x34f: {  	v59 =	vmul.f32 $1.442695020e+00, v1  }
0x350: {  	v3 =	vmul.f32 $1.176470610e-02, v3  }
0x351: {  	(erf) = vpow2.f32 v59  }
0x352: {  	v3 =	vtrunc.f32 v3  }
0x353: {  	v3 =	vcvt.f32.s32 v3;
	_ =	sdelay $0x1  }
0x354: {  	v60 =	vmul.u32 $0xFFFFFFAB, v3  }
0x355: {  	v61 =	vand.u32 $0xF, v3;
	v3 =	vshra.s32 v3, $0x4  }
0x356: {  	v62 =	vcvt.s32.f32 v61;
	v3 =	vcvt.s32.f32 v3;
	v2 =	vadd.s32 v2, v60  }
0x357: {  	vm13 =	veq.s32 v2, $0x0  }
0x358: {  	v3 =	vsel vm13, v62, v3  }
0x359: {  	v3 =	vadd.f32 v1, v3;
	v63 =	vpop (erf)  }
0x35a: {  	v4 =	vmul.f32 $3.200000000e+01, v63  }
0x35b: {  	vm14 =	vlt.s32 v2, $0x4;
	v3 =	vmul.f32 $3.200000000e+01, v3  }
0x35c: {  	vm15 =	vlt.s32 v2, $0x2;
	v1 =	vsel vm14, v4, v1  }
0x35d: {  	v1 =	vsel vm15, v3, v1  }
0x35e: {  	s20 =	simm.s32 $0xC0;
	s19 =	simm.s32 $0xF0;
	s18 =	simm.s32 $0x0;
	[tilespmem:s17+$0x30] =	vst v1  }
.LBB2_10:
0x35f: {  	s21 =	sadd.s32 $0xFFFFFF90, s19;
	v1 =	vld [tilespmem:s20+$0xFFFFFFC0];
	s18 =	sadd.s32 $0x8, s18  }
0x360: {  	v2 =	vor.u32 s21, v0;
	p1 =	slt.u32 s18, $0x548  }
0x361: {  	v3 =	vcvt.s32.f32 v2;
	_ =	sdelay $0x1  }
0x362: {  	v3 =	vadd.f32 $5.000000000e-01, v3  }
0x363: {  	v4 =	vmul.f32 $1.442695020e+00, v1  }
0x364: {  	v3 =	vmul.f32 $1.176470610e-02, v3  }
0x365: {  	(erf) = vpow2.f32 v4  }
0x366: {  	v3 =	vtrunc.f32 v3  }
0x367: {  	v3 =	vcvt.f32.s32 v3;
	_ =	sdelay $0x1  }
0x368: {  	v4 =	vmul.u32 $0xFFFFFFAB, v3  }
0x369: {  	v5 =	vand.u32 $0xF, v3;
	v3 =	vshra.s32 v3, $0x4  }
0x36a: {  	v5 =	vcvt.s32.f32 v5;
	v3 =	vcvt.s32.f32 v3;
	v2 =	vadd.s32 v2, v4  }
0x36b: {  	vm0 =	veq.s32 v2, $0x0  }
0x36c: {  	v3 =	vsel vm0, v5, v3  }
0x36d: {  	v3 =	vadd.f32 v1, v3;
	v4 =	vpop (erf)  }
0x36e: {  	v4 =	vmul.f32 $3.200000000e+01, v4  }
0x36f: {  	vm0 =	vlt.s32 v2, $0x4;
	v3 =	vmul.f32 $3.200000000e+01, v3  }
0x370: {  	vm1 =	vlt.s32 v2, $0x2;
	v1 =	vsel vm0, v4, v1  }
0x371: {  	s17 =	sadd.s32 $0x80, s17;
	v1 =	vsel vm1, v3, v1  }
0x372: {  	[tilespmem:s17+$0xFFFFFFC0] =	vst v1  }
0x373: {  	s21 =	sadd.s32 $0xFFFFFFA0, s19;
	v1 =	vld [tilespmem:s20+$0xFFFFFFD0]  }
0x374: {  	v2 =	vor.u32 s21, v0  }
0x375: {  	v3 =	vcvt.s32.f32 v2;
	_ =	sdelay $0x1  }
0x376: {  	v3 =	vadd.f32 $5.000000000e-01, v3  }
0x377: {  	v4 =	vmul.f32 $1.442695020e+00, v1  }
0x378: {  	v3 =	vmul.f32 $1.176470610e-02, v3  }
0x379: {  	(erf) = vpow2.f32 v4  }
0x37a: {  	v3 =	vtrunc.f32 v3  }
0x37b: {  	v3 =	vcvt.f32.s32 v3;
	_ =	sdelay $0x1  }
0x37c: {  	v4 =	vmul.u32 $0xFFFFFFAB, v3  }
0x37d: {  	v5 =	vand.u32 $0xF, v3;
	v3 =	vshra.s32 v3, $0x4  }
0x37e: {  	v5 =	vcvt.s32.f32 v5;
	v3 =	vcvt.s32.f32 v3;
	v2 =	vadd.s32 v2, v4  }
0x37f: {  	vm0 =	veq.s32 v2, $0x0  }
0x380: {  	v3 =	vsel vm0, v5, v3  }
0x381: {  	v3 =	vadd.f32 v1, v3;
	v4 =	vpop (erf)  }
0x382: {  	v4 =	vmul.f32 $3.200000000e+01, v4  }
0x383: {  	vm0 =	vlt.s32 v2, $0x4;
	v3 =	vmul.f32 $3.200000000e+01, v3  }
0x384: {  	vm1 =	vlt.s32 v2, $0x2;
	v1 =	vsel vm0, v4, v1  }
0x385: {  	v1 =	vsel vm1, v3, v1  }
0x386: {  	[tilespmem:s17+$0xFFFFFFD0] =	vst v1  }
0x387: {  	s21 =	sadd.s32 $0xFFFFFFB0, s19;
	v1 =	vld [tilespmem:s20+$0xFFFFFFE0]  }
0x388: {  	v2 =	vor.u32 s21, v0  }
0x389: {  	v3 =	vcvt.s32.f32 v2;
	_ =	sdelay $0x1  }
0x38a: {  	v3 =	vadd.f32 $5.000000000e-01, v3  }
0x38b: {  	v4 =	vmul.f32 $1.442695020e+00, v1  }
0x38c: {  	v3 =	vmul.f32 $1.176470610e-02, v3  }
0x38d: {  	(erf) = vpow2.f32 v4  }
0x38e: {  	v3 =	vtrunc.f32 v3  }
0x38f: {  	v3 =	vcvt.f32.s32 v3;
	_ =	sdelay $0x1  }
0x390: {  	v4 =	vmul.u32 $0xFFFFFFAB, v3  }
0x391: {  	v5 =	vand.u32 $0xF, v3;
	v3 =	vshra.s32 v3, $0x4  }
0x392: {  	v5 =	vcvt.s32.f32 v5;
	v3 =	vcvt.s32.f32 v3;
	v2 =	vadd.s32 v2, v4  }
0x393: {  	vm0 =	veq.s32 v2, $0x0  }
0x394: {  	v3 =	vsel vm0, v5, v3  }
0x395: {  	v3 =	vadd.f32 v1, v3;
	v4 =	vpop (erf)  }
0x396: {  	v4 =	vmul.f32 $3.200000000e+01, v4  }
0x397: {  	vm0 =	vlt.s32 v2, $0x4;
	v3 =	vmul.f32 $3.200000000e+01, v3  }
0x398: {  	vm1 =	vlt.s32 v2, $0x2;
	v1 =	vsel vm0, v4, v1  }
0x399: {  	v1 =	vsel vm1, v3, v1  }
0x39a: {  	[tilespmem:s17+$0xFFFFFFE0] =	vst v1  }
0x39b: {  	s21 =	sadd.s32 $0xFFFFFFC0, s19;
	v1 =	vld [tilespmem:s20+$0xFFFFFFF0]  }
0x39c: {  	v2 =	vor.u32 s21, v0  }
0x39d: {  	v3 =	vcvt.s32.f32 v2;
	_ =	sdelay $0x1  }
0x39e: {  	v3 =	vadd.f32 $5.000000000e-01, v3  }
0x39f: {  	v4 =	vmul.f32 $1.442695020e+00, v1  }
0x3a0: {  	v3 =	vmul.f32 $1.176470610e-02, v3  }
0x3a1: {  	(erf) = vpow2.f32 v4  }
0x3a2: {  	v3 =	vtrunc.f32 v3  }
0x3a3: {  	v3 =	vcvt.f32.s32 v3;
	_ =	sdelay $0x1  }
0x3a4: {  	v4 =	vmul.u32 $0xFFFFFFAB, v3  }
0x3a5: {  	v5 =	vand.u32 $0xF, v3;
	v3 =	vshra.s32 v3, $0x4  }
0x3a6: {  	v5 =	vcvt.s32.f32 v5;
	v3 =	vcvt.s32.f32 v3;
	v2 =	vadd.s32 v2, v4  }
0x3a7: {  	vm0 =	veq.s32 v2, $0x0  }
0x3a8: {  	v3 =	vsel vm0, v5, v3  }
0x3a9: {  	v3 =	vadd.f32 v1, v3;
	v4 =	vpop (erf)  }
0x3aa: {  	v4 =	vmul.f32 $3.200000000e+01, v4  }
0x3ab: {  	vm0 =	vlt.s32 v2, $0x4;
	v3 =	vmul.f32 $3.200000000e+01, v3  }
0x3ac: {  	vm1 =	vlt.s32 v2, $0x2;
	v1 =	vsel vm0, v4, v1  }
0x3ad: {  	v1 =	vsel vm1, v3, v1  }
0x3ae: {  	[tilespmem:s17+$0xFFFFFFF0] =	vst v1  }
0x3af: {  	s21 =	sadd.s32 $0xFFFFFFD0, s19;
	v1 =	vld [tilespmem:s20+$0x0]  }
0x3b0: {  	v2 =	vor.u32 s21, v0  }
0x3b1: {  	v3 =	vcvt.s32.f32 v2;
	_ =	sdelay $0x1  }
0x3b2: {  	v3 =	vadd.f32 $5.000000000e-01, v3  }
0x3b3: {  	v4 =	vmul.f32 $1.442695020e+00, v1  }
0x3b4: {  	v3 =	vmul.f32 $1.176470610e-02, v3  }
0x3b5: {  	(erf) = vpow2.f32 v4  }
0x3b6: {  	v3 =	vtrunc.f32 v3  }
0x3b7: {  	v3 =	vcvt.f32.s32 v3;
	_ =	sdelay $0x1  }
0x3b8: {  	v4 =	vmul.u32 $0xFFFFFFAB, v3  }
0x3b9: {  	v5 =	vand.u32 $0xF, v3;
	v3 =	vshra.s32 v3, $0x4  }
0x3ba: {  	v5 =	vcvt.s32.f32 v5;
	v3 =	vcvt.s32.f32 v3;
	v2 =	vadd.s32 v2, v4  }
0x3bb: {  	vm0 =	veq.s32 v2, $0x0  }
0x3bc: {  	v3 =	vsel vm0, v5, v3  }
0x3bd: {  	v3 =	vadd.f32 v1, v3;
	v4 =	vpop (erf)  }
0x3be: {  	v4 =	vmul.f32 $3.200000000e+01, v4  }
0x3bf: {  	vm0 =	vlt.s32 v2, $0x4;
	v3 =	vmul.f32 $3.200000000e+01, v3  }
0x3c0: {  	vm1 =	vlt.s32 v2, $0x2;
	v1 =	vsel vm0, v4, v1  }
0x3c1: {  	v1 =	vsel vm1, v3, v1  }
0x3c2: {  	[tilespmem:s17+$0x0] =	vst v1  }
0x3c3: {  	s21 =	sadd.s32 $0xFFFFFFE0, s19;
	v1 =	vld [tilespmem:s20+$0x10]  }
0x3c4: {  	v2 =	vor.u32 s21, v0  }
0x3c5: {  	v3 =	vcvt.s32.f32 v2;
	_ =	sdelay $0x1  }
0x3c6: {  	v3 =	vadd.f32 $5.000000000e-01, v3  }
0x3c7: {  	v4 =	vmul.f32 $1.442695020e+00, v1  }
0x3c8: {  	v3 =	vmul.f32 $1.176470610e-02, v3  }
0x3c9: {  	(erf) = vpow2.f32 v4  }
0x3ca: {  	v3 =	vtrunc.f32 v3  }
0x3cb: {  	v3 =	vcvt.f32.s32 v3;
	_ =	sdelay $0x1  }
0x3cc: {  	v4 =	vmul.u32 $0xFFFFFFAB, v3  }
0x3cd: {  	v5 =	vand.u32 $0xF, v3;
	v3 =	vshra.s32 v3, $0x4  }
0x3ce: {  	v5 =	vcvt.s32.f32 v5;
	v3 =	vcvt.s32.f32 v3;
	v2 =	vadd.s32 v2, v4  }
0x3cf: {  	vm0 =	veq.s32 v2, $0x0  }
0x3d0: {  	v3 =	vsel vm0, v5, v3  }
0x3d1: {  	v3 =	vadd.f32 v1, v3;
	v4 =	vpop (erf)  }
0x3d2: {  	v4 =	vmul.f32 $3.200000000e+01, v4  }
0x3d3: {  	vm0 =	vlt.s32 v2, $0x4;
	v3 =	vmul.f32 $3.200000000e+01, v3  }
0x3d4: {  	vm1 =	vlt.s32 v2, $0x2;
	v1 =	vsel vm0, v4, v1  }
0x3d5: {  	v1 =	vsel vm1, v3, v1  }
0x3d6: {  	[tilespmem:s17+$0x10] =	vst v1  }
0x3d7: {  	s21 =	sadd.s32 $0xFFFFFFF0, s19;
	v1 =	vld [tilespmem:s20+$0x20]  }
0x3d8: {  	v2 =	vor.u32 s21, v0  }
0x3d9: {  	v3 =	vcvt.s32.f32 v2;
	_ =	sdelay $0x1  }
0x3da: {  	v3 =	vadd.f32 $5.000000000e-01, v3  }
0x3db: {  	v4 =	vmul.f32 $1.442695020e+00, v1  }
0x3dc: {  	v3 =	vmul.f32 $1.176470610e-02, v3  }
0x3dd: {  	(erf) = vpow2.f32 v4  }
0x3de: {  	v3 =	vtrunc.f32 v3  }
0x3df: {  	v3 =	vcvt.f32.s32 v3;
	_ =	sdelay $0x1  }
0x3e0: {  	v4 =	vmul.u32 $0xFFFFFFAB, v3  }
0x3e1: {  	v5 =	vand.u32 $0xF, v3;
	v3 =	vshra.s32 v3, $0x4  }
0x3e2: {  	v5 =	vcvt.s32.f32 v5;
	v3 =	vcvt.s32.f32 v3;
	v2 =	vadd.s32 v2, v4  }
0x3e3: {  	vm0 =	veq.s32 v2, $0x0  }
0x3e4: {  	v3 =	vsel vm0, v5, v3  }
0x3e5: {  	v3 =	vadd.f32 v1, v3;
	v4 =	vpop (erf)  }
0x3e6: {  	v4 =	vmul.f32 $3.200000000e+01, v4  }
0x3e7: {  	vm0 =	vlt.s32 v2, $0x4;
	v3 =	vmul.f32 $3.200000000e+01, v3  }
0x3e8: {  	vm1 =	vlt.s32 v2, $0x2;
	v1 =	vsel vm0, v4, v1  }
0x3e9: {  	v1 =	vsel vm1, v3, v1  }
0x3ea: {  	[tilespmem:s17+$0x20] =	vst v1  }
0x3eb: {  	v1 =	vld [tilespmem:s20+$0x30]  }
0x3ec: {  	v2 =	vor.u32 s19, v0  }
0x3ed: {  	v3 =	vcvt.s32.f32 v2;
	_ =	sdelay $0x1  }
0x3ee: {  	v3 =	vadd.f32 $5.000000000e-01, v3  }
0x3ef: {  	v4 =	vmul.f32 $1.442695020e+00, v1  }
0x3f0: {  	v3 =	vmul.f32 $1.176470610e-02, v3  }
0x3f1: {  	(erf) = vpow2.f32 v4  }
0x3f2: {  	v3 =	vtrunc.f32 v3  }
0x3f3: {  	v3 =	vcvt.f32.s32 v3;
	_ =	sdelay $0x1  }
0x3f4: {  	v4 =	vmul.u32 $0xFFFFFFAB, v3  }
0x3f5: {  	v5 =	vand.u32 $0xF, v3;
	v3 =	vshra.s32 v3, $0x4  }
0x3f6: {  	v5 =	vcvt.s32.f32 v5;
	v3 =	vcvt.s32.f32 v3;
	v2 =	vadd.s32 v2, v4  }
0x3f7: {  	vm0 =	veq.s32 v2, $0x0  }
0x3f8: {  	v3 =	vsel vm0, v5, v3  }
0x3f9: {  	v3 =	vadd.f32 v1, v3;
	v4 =	vpop (erf)  }
.Ltmp8:
0x3fa: {  	v4 =	vmul.f32 $3.200000000e+01, v4;
	(pc) =	sbr.rel @p1 .LBB2_10-.Ltmp8, $4  }
0x3fb: {  	vm0 =	vlt.s32 v2, $0x4;
	v3 =	vmul.f32 $3.200000000e+01, v3  }
0x3fc: {  	vm1 =	vlt.s32 v2, $0x2;
	v1 =	vsel vm0, v4, v1  }
0x3fd: {  	v1 =	vsel vm1, v3, v1  }
0x3fe: {  	s19 =	sadd.s32 $0x80, s19;
	s20 =	sadd.s32 $0x80, s20;
	[tilespmem:s17+$0x30] =	vst v1  }
.Ltmp9:
0x3ff: {  	(pc) =	sbr.rel .LBB2_12-.Ltmp9, $4  }
0x400: {  	[hbm4b:s10+s3] =	stream.linear.scatter [tilespmem:s15], [sflag:$0x1], $0x5500, $0x38;
	[tilespmem:$0xAA00] =	vst v63  }
0x401: {  	_ =	swait.ge [sflag:s14], $0x5500  }
0x402: {  	[sflag:s14] =	ssyncset.done $0x0  }
0x403: {  	[sflag:s14] =	ssyncadd.s32 $0xFFFFAB00  }
.LBB2_13:
0x404: {  	_ =	sfence.sel $0x180000  }
0x405: {  	[bflag:$0x0] =	sbarrier.arrive $0xFFFF  }
0x406: {  	p0 =	sne.s32 s1, $0x0;
	_ =	strace $0x90000047  }
0x407: {  	s0 =	sadd.s32 @!p0 $0x100000, s0;
	[bflag:$0x2] =	sbarrier.arrive $0xFFFF  }
0x408: {  	[sflag:s0] =	ssyncadd.tile.s32 @!p0 $0x1;
	_ =	shalt  }
.Lfunc_end2:
_tile_overlayer_lowered:
.L_overlay_start_2:
0x409: {  	(tag) =	ssettag $0x2  }
0x40a: {  	s0 =	rddreg [dreg:$0x0];
	s2 =	stileid.u32  }
0x40b: {  	s1 =	rddreg [dreg:$0x1];
	p0 =	sne.s32 s2, $0x0  }
0x40c: {  	s3 =	rddreg [dreg:$0x2];
	[bflag:$0x3] =	sbarrier.arrive $0xFFFF;
	s2 =	simm.s32 @!p0 $0x1C01  }
0x40d: {  	[timem:s3], [sflag:s2] =	dma.local @!p0 [hbm:s0], s1  }
0x40e: {  	s0 =	simm.s32 @!p0 $0x1  }
0x40f: {  	_ =	swait.ge @!p0 [sflag:s0], s1  }
0x410: {  	s1 =	ssub.s32 @!p0 $0x0, s1;
	[sflag:s0] =	ssyncset.done @!p0 $0x0  }
0x411: {  	[sflag:s0] =	ssyncadd.s32 @!p0 s1  }
0x412: {  	[bflag:$0x3] =	sbarrier.arrive $0xFFFF  }
0x413: {  	_ =	shalt  }

</sc_bundles>
